<compile_context>
chip_gen: v7x
topology: tpu7x:2x2x1
jax: 0.10.2.dev20260603
libtpu: 0.0.44.dev20260713+nightly
codegen_flags: <defaults>
</compile_context>

<pallas_src>
import functools

import jax
import jax.numpy as jnp
from jax import lax
from jax.experimental import pallas as pl
from jax.experimental.pallas import tpu as pltpu
from jax.experimental.pallas import tpu_sc as plsc

NUM_CORES = 2
NUM_SUBCORES = 16
NW = NUM_CORES * NUM_SUBCORES
CH = 128
FAST_SHARE = 0.4975


def _sc_aggregate(x, idx, *, n_pad, d, total_chunks):
    rpt = n_pad // NUM_SUBCORES
    k0 = int(total_chunks * FAST_SHARE)
    core_base = (0, k0)
    core_cnt = (k0, total_chunks - k0)
    mesh = plsc.VectorSubcoreMesh(core_axis_name="c", subcore_axis_name="s")

    @functools.partial(
        pl.kernel,
        mesh=mesh,
        out_type=(
            jax.ShapeDtypeStruct((n_pad, d), jnp.bfloat16),
            jax.ShapeDtypeStruct((n_pad, d), jnp.bfloat16),
            jax.ShapeDtypeStruct((NW, n_pad), jnp.float32),
        ),
        scratch_types=[
            pltpu.VMEM_SHARED((n_pad, d), jnp.bfloat16),
            pltpu.VMEM((2, 2, CH), jnp.int32),
            pltpu.VMEM((2, CH, d), jnp.bfloat16),
            pltpu.VMEM((n_pad,), jnp.float32),
            pltpu.SemaphoreType.DMA((2,)),
            pltpu.SemaphoreType.DMA((2,)),
        ],
        compiler_params=pltpu.CompilerParams(needs_layout_passes=False,
                                             use_tc_tiling_on_sc=False),
    )
    def agg(x_hbm, idx_hbm, sums0_hbm, sums1_hbm, cnts_hbm,
            accum_s, idxb, rows, cnt_v, gsem, isem):
        c = lax.axis_index("c")
        s = lax.axis_index("s")
        wid = c * NUM_SUBCORES + s

        base = jnp.where(c == 0, core_base[0], core_base[1]) + s
        kc = jnp.where(c == 0, core_cnt[0], core_cnt[1])
        n_i = (kc - s + NUM_SUBCORES - 1) // NUM_SUBCORES

        zero16 = jnp.zeros((16,), jnp.float32)

        def zstep(i, carry):
            cnt_v[pl.ds(i * 16, 16)] = zero16
            return carry

        lax.fori_loop(0, n_pad // 16, zstep, 0)

        zero32 = jnp.zeros((32,), jnp.bfloat16)

        def zstep2(i, carry):
            rows[0, i // (d // 32), pl.ds((i % (d // 32)) * 32, 32)] = zero32
            return carry

        lax.fori_loop(0, CH * d // 32, zstep2, 0)
        for blk in range(rpt // CH):
            pltpu.sync_copy(rows.at[0],
                            accum_s.at[pl.ds(s * rpt + blk * CH, CH)])
        plsc.subcore_barrier()

        one16 = jnp.ones((16,), jnp.float32)

        def off_of(i):
            return (base + i * NUM_SUBCORES) * CH

        def idxcp(i, b):
            return pltpu.make_async_copy(
                idx_hbm.at[:, pl.ds(off_of(i), CH)], idxb.at[b], isem.at[b])

        def gather(b):
            return pltpu.make_async_copy(x_hbm.at[idxb.at[b, 0]], rows.at[b],
                                         gsem.at[b])

        @pl.when(n_i > 0)
        def _():
            pltpu.sync_copy(idx_hbm.at[:, pl.ds(off_of(0), CH)], idxb.at[0])
            gather(0).start()

            @pl.when(n_i > 1)
            def _():
                idxcp(1, 1).start()

            def step(i, carry):
                b = lax.rem(i, 2)
                nb = lax.rem(i + 1, 2)

                @pl.when(i + 1 < n_i)
                def _():
                    idxcp(i + 1, nb).wait()
                    gather(nb).start()

                for j in range(CH // 16):
                    iv = idxb[b, 1, pl.ds(j * 16, 16)]
                    plsc.addupdate_scatter(cnt_v, [iv], one16)

                gather(b).wait()
                pltpu.sync_copy(rows.at[b], accum_s.at[idxb.at[b, 1]],
                                add=True)

                @pl.when(i + 2 < n_i)
                def _():
                    idxcp(i + 2, b).start()

                return carry

            lax.fori_loop(0, n_i, step, 0)

        pltpu.sync_copy(cnt_v, cnts_hbm.at[wid])
        plsc.subcore_barrier()

        @pl.when(c == 0)
        def _():
            pltpu.sync_copy(accum_s.at[pl.ds(s * rpt, rpt)],
                            sums0_hbm.at[pl.ds(s * rpt, rpt)])

        @pl.when(c == 1)
        def _():
            pltpu.sync_copy(accum_s.at[pl.ds(s * rpt, rpt)],
                            sums1_hbm.at[pl.ds(s * rpt, rpt)])

    return agg(x, idx)


_DNUMS = (((1,), (1,)), ((), ()))


def _tc_root(x, wr, bl, *, n, d, rb):

    def body(x_ref, wr_ref, bl_ref, out_ref):
        out_ref[...] = lax.dot_general(
            x_ref[...], wr_ref[...], _DNUMS,
            preferred_element_type=jnp.float32) + bl_ref[...]

    return pl.pallas_call(
        body,
        grid=(-(-n // rb),),
        in_specs=[
            pl.BlockSpec((rb, d), lambda i: (i, 0)),
            pl.BlockSpec((d, d), lambda i: (0, 0)),
            pl.BlockSpec((1, d), lambda i: (0, 0)),
        ],
        out_specs=pl.BlockSpec((rb, d), lambda i: (i, 0)),
        out_shape=jax.ShapeDtypeStruct((n, d), jnp.float32),
    )(x, wr, bl)


def _tc_combine(s0, s1, cnts, root, wl, *, n, d, rb):

    def body(s0_ref, s1_ref, cnts_ref, root_ref, wl_ref, out_ref):
        v0 = jnp.reshape(s0_ref[...], (rb, d)).astype(jnp.float32)
        v1 = jnp.reshape(s1_ref[...], (rb, d)).astype(jnp.float32)
        ssum = v0 + v1
        cnt = jnp.reshape(jnp.sum(cnts_ref[...], axis=0), (rb, 1))
        mean = ssum / jnp.maximum(cnt, 1.0)
        acc = lax.dot_general(mean, wl_ref[...], _DNUMS,
                              preferred_element_type=jnp.float32)
        out_ref[...] = acc + root_ref[...]

    grid = (-(-n // rb),)
    return pl.pallas_call(
        body,
        grid=grid,
        in_specs=[
            pl.BlockSpec((rb * d,), lambda i: (i,)),
            pl.BlockSpec((rb * d,), lambda i: (i,)),
            pl.BlockSpec((NW, rb), lambda i: (0, i)),
            pl.BlockSpec((rb, d), lambda i: (i, 0)),
            pl.BlockSpec((d, d), lambda i: (0, 0)),
        ],
        out_specs=pl.BlockSpec((rb, d), lambda i: (i, 0)),
        out_shape=jax.ShapeDtypeStruct((n, d), jnp.float32),
    )(s0, s1, cnts, root, wl)


def kernel(hidden_states, graph, aggl, W_l, b_l, W_r):
    x = hidden_states
    n, d = x.shape
    e = graph.shape[1]
    n_pad = -(-(n + 1) // 256) * 256

    if e % CH == 0:
        idx = graph
    else:
        pad = CH - e % CH
        idx = jnp.concatenate(
            [graph,
             jnp.stack([jnp.zeros((pad,), jnp.int32),
                        jnp.full((pad,), n, jnp.int32)])], axis=1)
    total_chunks = idx.shape[1] // CH

    root = _tc_root(x, W_r, b_l.reshape(1, d), n=n, d=d, rb=1024)
    sums0, sums1, cnts = _sc_aggregate(x.astype(jnp.bfloat16), idx,
                                       n_pad=n_pad, d=d,
                                       total_chunks=total_chunks)

    out = _tc_combine(jnp.reshape(sums0, (n_pad * d,)),
                      jnp.reshape(sums1, (n_pad * d,)),
                      cnts, root, W_l, n=n, d=d, rb=1024)
    return out

# --- scband reference (transcript-rebuilt; emitter-appended) ---
"""Pipeline reference for scband-single-layer-graph-sage-48000554500183 (READ-ONLY COPY).

The authoritative reference and input builder live on the scoring server;
editing this copy changes nothing except your own understanding.
"""

import jax, jax.numpy as jnp
import numpy as np


def setup_inputs(seed: int = 0) -> dict:
    key = jax.random.key(seed)
    k1, k2, k3, k4 = jax.random.split(key, 4)
    N, E, D = 10000, 320000, 128
    hidden_states = jax.random.normal(k1, (N, D), dtype=jnp.float32)
    graph = jax.random.randint(k2, (2, E), 0, N, dtype=jnp.int32)
    aggl = 0
    # SAGEConv parameters: lin_l (neighbor transform, with bias), lin_r (root transform, no bias)
    W_l = (jax.random.normal(k3, (D, D), dtype=jnp.float32) / np.sqrt(D)).astype(jnp.float32)
    b_l = jnp.zeros((D,), dtype=jnp.float32)
    W_r = (jax.random.normal(k4, (D, D), dtype=jnp.float32) / np.sqrt(D)).astype(jnp.float32)
    return {"hidden_states": hidden_states, "graph": graph, "aggl": aggl,
            "W_l": W_l, "b_l": b_l, "W_r": W_r}


def reference(hidden_states, graph, aggl, W_l, b_l, W_r):
    # SingleLayerGraphSAGE.forward: clone/move to device are no-ops numerically;
    # aggl only triggers a debug print branch (aggl=0 -> skipped).
    N = hidden_states.shape[0]
    E = graph.shape[1]
    src = graph[0]
    dst = graph[1]
    # PyG SAGEConv (aggr='mean', root_weight=True, normalize=False, project=False):
    # out = lin_l(mean_{j in N(i)} x_j) + lin_r(x_i)
    msgs = hidden_states[src]  # gather source node features per edge
    summed = jax.ops.segment_sum(msgs, dst, num_segments=N)
    counts = jax.ops.segment_sum(jnp.ones((E,), dtype=hidden_states.dtype), dst, num_segments=N)
    mean_agg = summed / jnp.clip(counts, 1.0)[:, None]
    out = mean_agg @ W_l.T + b_l + hidden_states @ W_r.T
    return out

if __name__ == "__main__":
    import jax
    _d = setup_inputs()
    print(jax.jit(kernel)(*tuple(_d.values())))

</pallas_src>

<mosaic_0001>
#map = affine_map<(d0, d1) -> (0, 0)>
module attributes {stable_mosaic.version = 14 : i64} {
  func.func @agg(%arg0: i32, %arg1: i32, %arg2: memref<10000x128xbf16, #tpu.memory_space<hbm>>, %arg3: memref<2x320000xi32, #tpu.memory_space<hbm>>, %arg4: memref<10240x128xbf16, #tpu.memory_space<hbm>>, %arg5: memref<10240x128xbf16, #tpu.memory_space<hbm>>, %arg6: memref<32x10240xf32, #tpu.memory_space<hbm>>, %arg7: memref<10240x128xbf16, #tpu.memory_space<vmem_shared>>, %arg8: memref<2x2x128xi32, #tpu.memory_space<vmem>>, %arg9: memref<2x128x128xbf16, #tpu.memory_space<vmem>>, %arg10: memref<10240xf32, #tpu.memory_space<vmem>>, %arg11: memref<2x!tpu.dma_semaphore, #tpu.memory_space<semaphore_mem>>, %arg12: memref<2x!tpu.dma_semaphore, #tpu.memory_space<semaphore_mem>>) attributes {dimension_semantics = [#tpu.dimension_semantics<core_parallel>, #tpu.dimension_semantics<subcore_parallel>], iteration_bounds = array<i64: 2, 16>, scalar_prefetch = 0 : i64, scratch_operands = 6 : i64, tpu.core_type = #tpu.core_type<sc_vector_subcore>, window_params = [{transform_indices = #map}, {transform_indices = #map}, {transform_indices = #map}, {transform_indices = #map}, {transform_indices = #map}]} {
    %mul3A = arith.constant 16 : i32
    %mul3A_0 = arith.muli %arg0, %mul3A : i32
    %add3A = arith.addi %mul3A_0, %arg1 : i32
    %eq3A = arith.constant 0 : i32
    %eq3A_1 = arith.cmpi eq, %arg0, %eq3A : i32
    %jit3A = arith.constant 0 : i32
    %jit3A_2 = arith.constant 1243 : i32
    %select_n3A = arith.select %eq3A_1, %jit3A, %jit3A_2 : i32
    %add3A_3 = arith.addi %select_n3A, %arg1 : i32
    %eq3A_4 = arith.constant 0 : i32
    %eq3A_5 = arith.cmpi eq, %arg0, %eq3A_4 : i32
    %jit3A_6 = arith.constant 1243 : i32
    %jit3A_7 = arith.constant 1257 : i32
    %select_n3A_8 = arith.select %eq3A_5, %jit3A_6, %jit3A_7 : i32
    %sub3A = arith.subi %select_n3A_8, %arg1 : i32
    %add3A_9 = arith.constant 16 : i32
    %add3A_10 = arith.addi %sub3A, %add3A_9 : i32
    %sub3A_11 = arith.constant 1 : i32
    %sub3A_12 = arith.subi %add3A_10, %sub3A_11 : i32
    %jit3A_13 = arith.constant 16 : i32
    %div3A = arith.divsi %sub3A_12, %jit3A_13 : i32
    %sign3A = arith.constant 0 : i32
    %sign3A_14 = arith.cmpi sgt, %sub3A_12, %sign3A : i32
    %sign3A_15 = arith.extui %sign3A_14 : i1 to i32
    %sign3A_16 = arith.constant 0 : i32
    %sign3A_17 = arith.cmpi slt, %sub3A_12, %sign3A_16 : i32
    %sign3A_18 = arith.extui %sign3A_17 : i1 to i32
    %sign3A_19 = arith.subi %sign3A_15, %sign3A_18 : i32
    %sign3A_20 = arith.constant 0 : i32
    %sign3A_21 = arith.cmpi sgt, %jit3A_13, %sign3A_20 : i32
    %sign3A_22 = arith.extui %sign3A_21 : i1 to i32
    %sign3A_23 = arith.constant 0 : i32
    %sign3A_24 = arith.cmpi slt, %jit3A_13, %sign3A_23 : i32
    %sign3A_25 = arith.extui %sign3A_24 : i1 to i32
    %sign3A_26 = arith.subi %sign3A_22, %sign3A_25 : i32
    %ne3A = arith.cmpi ne, %sign3A_19, %sign3A_26 : i32
    %rem3A = arith.remsi %sub3A_12, %jit3A_13 : i32
    %ne3A_27 = arith.constant 0 : i32
    %ne3A_28 = arith.cmpi ne, %rem3A, %ne3A_27 : i32
    %and3A = arith.andi %ne3A, %ne3A_28 : i1
    %sub3A_29 = arith.constant 1 : i32
    %sub3A_30 = arith.subi %div3A, %sub3A_29 : i32
    %select_n3A_31 = arith.select %and3A, %sub3A_30, %div3A : i32
    %broadcast_in_dim3A = arith.constant 0.000000e+00 : f32
    %broadcast_in_dim3A_32 = vector.broadcast %broadcast_in_dim3A : f32 to vector<16xf32>
    %scan3A = arith.constant 0 : i32
    %scan3A_33 = arith.constant 0 : i32
    %scan3A_34 = arith.constant 640 : i32
    %scan3A_35 = arith.addi %scan3A_33, %scan3A_34 : i32
    %scan3A_36 = arith.constant 1 : i32
    scf.for %scan3A_85 = %scan3A_33 to %scan3A_35 step %scan3A_36  : i32 {
      %mul3A_86 = arith.constant 16 : i32
      %mul3A_87 = arith.muli %scan3A_85, %mul3A_86 : i32
      %swap3A = arith.index_cast %mul3A_87 : i32 to index
      %swap3A_88 = tpu.vector_load %arg10[%swap3A] {strides = array<i32>} : memref<10240xf32, #tpu.memory_space<vmem>>, vector<16xf32>,
      tpu.vector_store %arg10[%swap3A], %broadcast_in_dim3A_32 {strides = array<i32>} : memref<10240xf32, #tpu.memory_space<vmem>>, vector<16xf32>,
    }
    %scan3A_37 = arith.constant 640 : i32
    %broadcast_in_dim3A_38 = arith.constant 0.000000e+00 : bf16
    %broadcast_in_dim3A_39 = vector.broadcast %broadcast_in_dim3A_38 : bf16 to vector<32xbf16>
    %scan3A_40 = arith.constant 0 : i32
    %scan3A_41 = arith.constant 0 : i32
    %scan3A_42 = arith.constant 512 : i32
    %scan3A_43 = arith.addi %scan3A_41, %scan3A_42 : i32
    %scan3A_44 = arith.constant 1 : i32
    scf.for %scan3A_85 = %scan3A_41 to %scan3A_43 step %scan3A_44  : i32 {
      %jit3A_86 = arith.constant 4 : i32
      %div3A_87 = arith.divsi %scan3A_85, %jit3A_86 : i32
      %sign3A_88 = arith.constant 0 : i32
      %sign3A_89 = arith.cmpi sgt, %scan3A_85, %sign3A_88 : i32
      %sign3A_90 = arith.extui %sign3A_89 : i1 to i32
      %sign3A_91 = arith.constant 0 : i32
      %sign3A_92 = arith.cmpi slt, %scan3A_85, %sign3A_91 : i32
      %sign3A_93 = arith.extui %sign3A_92 : i1 to i32
      %sign3A_94 = arith.subi %sign3A_90, %sign3A_93 : i32
      %sign3A_95 = arith.constant 0 : i32
      %sign3A_96 = arith.cmpi sgt, %jit3A_86, %sign3A_95 : i32
      %sign3A_97 = arith.extui %sign3A_96 : i1 to i32
      %sign3A_98 = arith.constant 0 : i32
      %sign3A_99 = arith.cmpi slt, %jit3A_86, %sign3A_98 : i32
      %sign3A_100 = arith.extui %sign3A_99 : i1 to i32
      %sign3A_101 = arith.subi %sign3A_97, %sign3A_100 : i32
      %ne3A_102 = arith.cmpi ne, %sign3A_94, %sign3A_101 : i32
      %rem3A_103 = arith.remsi %scan3A_85, %jit3A_86 : i32
      %ne3A_104 = arith.constant 0 : i32
      %ne3A_105 = arith.cmpi ne, %rem3A_103, %ne3A_104 : i32
      %and3A_106 = arith.andi %ne3A_102, %ne3A_105 : i1
      %sub3A_107 = arith.constant 1 : i32
      %sub3A_108 = arith.subi %div3A_87, %sub3A_107 : i32
      %select_n3A_109 = arith.select %and3A_106, %sub3A_108, %div3A_87 : i32
      %jit3A_110 = arith.constant 4 : i32
      %eq3A_111 = arith.constant 0 : i32
      %eq3A_112 = arith.cmpi eq, %jit3A_110, %eq3A_111 : i32
      %jit3A_113 = arith.constant 1 : i32
      %select_n3A_114 = arith.select %eq3A_112, %jit3A_113, %jit3A_110 : i32
      %rem3A_115 = arith.remsi %scan3A_85, %select_n3A_114 : i32
      %ne3A_116 = arith.constant 0 : i32
      %ne3A_117 = arith.cmpi ne, %rem3A_115, %ne3A_116 : i32
      %lt3A = arith.constant 0 : i32
      %lt3A_118 = arith.cmpi slt, %rem3A_115, %lt3A : i32
      %lt3A_119 = arith.constant 0 : i32
      %lt3A_120 = arith.cmpi slt, %select_n3A_114, %lt3A_119 : i32
      %ne3A_121 = arith.xori %lt3A_118, %lt3A_120 : i1
      %and3A_122 = arith.andi %ne3A_121, %ne3A_117 : i1
      %add3A_123 = arith.addi %rem3A_115, %select_n3A_114 : i32
      %select_n3A_124 = arith.select %and3A_122, %add3A_123, %rem3A_115 : i32
      %mul3A_125 = arith.constant 32 : i32
      %mul3A_126 = arith.muli %select_n3A_124, %mul3A_125 : i32
      %swap3A = arith.constant 0 : i32
      %swap3A_127 = arith.index_cast %swap3A : i32 to index
      %swap3A_128 = arith.index_cast %select_n3A_109 : i32 to index
      %swap3A_129 = arith.index_cast %mul3A_126 : i32 to index
      %swap3A_130 = tpu.vector_load %arg9[%swap3A_127, %swap3A_128, %swap3A_129] {strides = array<i32>} : memref<2x128x128xbf16, #tpu.memory_space<vmem>>, vector<32xbf16>,
      tpu.vector_store %arg9[%swap3A_127, %swap3A_128, %swap3A_129], %broadcast_in_dim3A_39 {strides = array<i32>} : memref<2x128x128xbf16, #tpu.memory_space<vmem>>, vector<32xbf16>,
    }
    %scan3A_45 = arith.constant 512 : i32
    %mul3A_46 = arith.constant 640 : i32
    %mul3A_47 = arith.muli %arg1, %mul3A_46 : i32
    %add3A_48 = arith.constant 0 : i32
    %add3A_49 = arith.addi %mul3A_47, %add3A_48 : i32
    %run_scoped3A = arith.constant 0 : i32
    "tpu.region"() ({
      %run_scoped3A_85 = tpu.sem_alloc : memref<!tpu.dma_semaphore, #tpu.memory_space<semaphore_mem>>
      %dma_start3A = arith.constant 0 : i32
      %dma_start3A_86 = arith.constant 0 : i32
      %dma_start3A_87 = tpu.memref_slice %arg9[%run_scoped3A, %dma_start3A, %dma_start3A_86] : memref<2x128x128xbf16, #tpu.memory_space<vmem>> -> memref<1x128x128xbf16, #tpu.memory_space<vmem>>
      %dma_start3A_88 = tpu.memref_squeeze %dma_start3A_87 : memref<1x128x128xbf16, #tpu.memory_space<vmem>> -> memref<128x128xbf16, #tpu.memory_space<vmem>>
      %dma_start3A_89 = arith.constant 0 : i32
      %dma_start3A_90 = tpu.memref_slice %arg7[%add3A_49, %dma_start3A_89] : memref<10240x128xbf16, #tpu.memory_space<vmem_shared>> -> memref<128x128xbf16, #tpu.memory_space<vmem_shared>>
      %dma_start3A_91 = arith.constant 0 : i32
      %dma_start3A_92 = tpu.memref_slice %arg7[%add3A_49, %dma_start3A_91] : memref<10240x128xbf16, #tpu.memory_space<vmem_shared>> -> memref<128x128xbf16, #tpu.memory_space<vmem_shared>>
      %dma_start3A_93 = arith.constant 0 : i32
      %dma_start3A_94 = arith.constant 0 : i32
      %dma_start3A_95 = tpu.memref_slice %arg9[%run_scoped3A, %dma_start3A_93, %dma_start3A_94] : memref<2x128x128xbf16, #tpu.memory_space<vmem>> -> memref<1x128x128xbf16, #tpu.memory_space<vmem>>
      %dma_start3A_96 = tpu.memref_squeeze %dma_start3A_95 : memref<1x128x128xbf16, #tpu.memory_space<vmem>> -> memref<128x128xbf16, #tpu.memory_space<vmem>>
      tpu.enqueue_dma source(%dma_start3A_96 : memref<128x128xbf16, #tpu.memory_space<vmem>>) target(%dma_start3A_92 : memref<128x128xbf16, #tpu.memory_space<vmem_shared>>) target_semaphore(%run_scoped3A_85 : memref<!tpu.dma_semaphore, #tpu.memory_space<semaphore_mem>>)
      %dma_wait3A = arith.constant 0 : i32
      %dma_wait3A_97 = arith.constant 0 : i32
      %dma_wait3A_98 = tpu.memref_slice %arg9[%run_scoped3A, %dma_wait3A, %dma_wait3A_97] : memref<2x128x128xbf16, #tpu.memory_space<vmem>> -> memref<1x128x128xbf16, #tpu.memory_space<vmem>>
      %dma_wait3A_99 = tpu.memref_squeeze %dma_wait3A_98 : memref<1x128x128xbf16, #tpu.memory_space<vmem>> -> memref<128x128xbf16, #tpu.memory_space<vmem>>
      %dma_wait3A_100 = arith.constant 0 : i32
      %dma_wait3A_101 = tpu.memref_slice %arg7[%add3A_49, %dma_wait3A_100] : memref<10240x128xbf16, #tpu.memory_space<vmem_shared>> -> memref<128x128xbf16, #tpu.memory_space<vmem_shared>>
      %dma_wait3A_102 = arith.constant 0 : i32
      %dma_wait3A_103 = tpu.memref_slice %arg7[%add3A_49, %dma_wait3A_102] : memref<10240x128xbf16, #tpu.memory_space<vmem_shared>> -> memref<128x128xbf16, #tpu.memory_space<vmem_shared>>
      %dma_wait3A_104 = arith.constant 0 : i32
      %dma_wait3A_105 = arith.constant 0 : i32
      %dma_wait3A_106 = tpu.memref_slice %arg9[%run_scoped3A, %dma_wait3A_104, %dma_wait3A_105] : memref<2x128x128xbf16, #tpu.memory_space<vmem>> -> memref<1x128x128xbf16, #tpu.memory_space<vmem>>
      %dma_wait3A_107 = tpu.memref_squeeze %dma_wait3A_106 : memref<1x128x128xbf16, #tpu.memory_space<vmem>> -> memref<128x128xbf16, #tpu.memory_space<vmem>>
      tpu.wait_dma2 semaphore(%run_scoped3A_85 : memref<!tpu.dma_semaphore, #tpu.memory_space<semaphore_mem>>) src(%dma_wait3A_107 : memref<128x128xbf16, #tpu.memory_space<vmem>>) dst(%dma_wait3A_103 : memref<128x128xbf16, #tpu.memory_space<vmem_shared>>)
      tpu.yield
    }) : () -> ()
    %mul3A_50 = arith.constant 640 : i32
    %mul3A_51 = arith.muli %arg1, %mul3A_50 : i32
    %add3A_52 = arith.constant 128 : i32
    %add3A_53 = arith.addi %mul3A_51, %add3A_52 : i32
    %run_scoped3A_54 = arith.constant 0 : i32
    "tpu.region"() ({
      %run_scoped3A_85 = tpu.sem_alloc : memref<!tpu.dma_semaphore, #tpu.memory_space<semaphore_mem>>
      %dma_start3A = arith.constant 0 : i32
      %dma_start3A_86 = arith.constant 0 : i32
      %dma_start3A_87 = tpu.memref_slice %arg9[%run_scoped3A_54, %dma_start3A, %dma_start3A_86] : memref<2x128x128xbf16, #tpu.memory_space<vmem>> -> memref<1x128x128xbf16, #tpu.memory_space<vmem>>
      %dma_start3A_88 = tpu.memref_squeeze %dma_start3A_87 : memref<1x128x128xbf16, #tpu.memory_space<vmem>> -> memref<128x128xbf16, #tpu.memory_space<vmem>>
      %dma_start3A_89 = arith.constant 0 : i32
      %dma_start3A_90 = tpu.memref_slice %arg7[%add3A_53, %dma_start3A_89] : memref<10240x128xbf16, #tpu.memory_space<vmem_shared>> -> memref<128x128xbf16, #tpu.memory_space<vmem_shared>>
      %dma_start3A_91 = arith.constant 0 : i32
      %dma_start3A_92 = tpu.memref_slice %arg7[%add3A_53, %dma_start3A_91] : memref<10240x128xbf16, #tpu.memory_space<vmem_shared>> -> memref<128x128xbf16, #tpu.memory_space<vmem_shared>>
      %dma_start3A_93 = arith.constant 0 : i32
      %dma_start3A_94 = arith.constant 0 : i32
      %dma_start3A_95 = tpu.memref_slice %arg9[%run_scoped3A_54, %dma_start3A_93, %dma_start3A_94] : memref<2x128x128xbf16, #tpu.memory_space<vmem>> -> memref<1x128x128xbf16, #tpu.memory_space<vmem>>
      %dma_start3A_96 = tpu.memref_squeeze %dma_start3A_95 : memref<1x128x128xbf16, #tpu.memory_space<vmem>> -> memref<128x128xbf16, #tpu.memory_space<vmem>>
      tpu.enqueue_dma source(%dma_start3A_96 : memref<128x128xbf16, #tpu.memory_space<vmem>>) target(%dma_start3A_92 : memref<128x128xbf16, #tpu.memory_space<vmem_shared>>) target_semaphore(%run_scoped3A_85 : memref<!tpu.dma_semaphore, #tpu.memory_space<semaphore_mem>>)
      %dma_wait3A = arith.constant 0 : i32
      %dma_wait3A_97 = arith.constant 0 : i32
      %dma_wait3A_98 = tpu.memref_slice %arg9[%run_scoped3A_54, %dma_wait3A, %dma_wait3A_97] : memref<2x128x128xbf16, #tpu.memory_space<vmem>> -> memref<1x128x128xbf16, #tpu.memory_space<vmem>>
      %dma_wait3A_99 = tpu.memref_squeeze %dma_wait3A_98 : memref<1x128x128xbf16, #tpu.memory_space<vmem>> -> memref<128x128xbf16, #tpu.memory_space<vmem>>
      %dma_wait3A_100 = arith.constant 0 : i32
      %dma_wait3A_101 = tpu.memref_slice %arg7[%add3A_53, %dma_wait3A_100] : memref<10240x128xbf16, #tpu.memory_space<vmem_shared>> -> memref<128x128xbf16, #tpu.memory_space<vmem_shared>>
      %dma_wait3A_102 = arith.constant 0 : i32
      %dma_wait3A_103 = tpu.memref_slice %arg7[%add3A_53, %dma_wait3A_102] : memref<10240x128xbf16, #tpu.memory_space<vmem_shared>> -> memref<128x128xbf16, #tpu.memory_space<vmem_shared>>
      %dma_wait3A_104 = arith.constant 0 : i32
      %dma_wait3A_105 = arith.constant 0 : i32
      %dma_wait3A_106 = tpu.memref_slice %arg9[%run_scoped3A_54, %dma_wait3A_104, %dma_wait3A_105] : memref<2x128x128xbf16, #tpu.memory_space<vmem>> -> memref<1x128x128xbf16, #tpu.memory_space<vmem>>
      %dma_wait3A_107 = tpu.memref_squeeze %dma_wait3A_106 : memref<1x128x128xbf16, #tpu.memory_space<vmem>> -> memref<128x128xbf16, #tpu.memory_space<vmem>>
      tpu.wait_dma2 semaphore(%run_scoped3A_85 : memref<!tpu.dma_semaphore, #tpu.memory_space<semaphore_mem>>) src(%dma_wait3A_107 : memref<128x128xbf16, #tpu.memory_space<vmem>>) dst(%dma_wait3A_103 : memref<128x128xbf16, #tpu.memory_space<vmem_shared>>)
      tpu.yield
    }) : () -> ()
    %mul3A_55 = arith.constant 640 : i32
    %mul3A_56 = arith.muli %arg1, %mul3A_55 : i32
    %add3A_57 = arith.constant 256 : i32
    %add3A_58 = arith.addi %mul3A_56, %add3A_57 : i32
    %run_scoped3A_59 = arith.constant 0 : i32
    "tpu.region"() ({
      %run_scoped3A_85 = tpu.sem_alloc : memref<!tpu.dma_semaphore, #tpu.memory_space<semaphore_mem>>
      %dma_start3A = arith.constant 0 : i32
      %dma_start3A_86 = arith.constant 0 : i32
      %dma_start3A_87 = tpu.memref_slice %arg9[%run_scoped3A_59, %dma_start3A, %dma_start3A_86] : memref<2x128x128xbf16, #tpu.memory_space<vmem>> -> memref<1x128x128xbf16, #tpu.memory_space<vmem>>
      %dma_start3A_88 = tpu.memref_squeeze %dma_start3A_87 : memref<1x128x128xbf16, #tpu.memory_space<vmem>> -> memref<128x128xbf16, #tpu.memory_space<vmem>>
      %dma_start3A_89 = arith.constant 0 : i32
      %dma_start3A_90 = tpu.memref_slice %arg7[%add3A_58, %dma_start3A_89] : memref<10240x128xbf16, #tpu.memory_space<vmem_shared>> -> memref<128x128xbf16, #tpu.memory_space<vmem_shared>>
      %dma_start3A_91 = arith.constant 0 : i32
      %dma_start3A_92 = tpu.memref_slice %arg7[%add3A_58, %dma_start3A_91] : memref<10240x128xbf16, #tpu.memory_space<vmem_shared>> -> memref<128x128xbf16, #tpu.memory_space<vmem_shared>>
      %dma_start3A_93 = arith.constant 0 : i32
      %dma_start3A_94 = arith.constant 0 : i32
      %dma_start3A_95 = tpu.memref_slice %arg9[%run_scoped3A_59, %dma_start3A_93, %dma_start3A_94] : memref<2x128x128xbf16, #tpu.memory_space<vmem>> -> memref<1x128x128xbf16, #tpu.memory_space<vmem>>
      %dma_start3A_96 = tpu.memref_squeeze %dma_start3A_95 : memref<1x128x128xbf16, #tpu.memory_space<vmem>> -> memref<128x128xbf16, #tpu.memory_space<vmem>>
      tpu.enqueue_dma source(%dma_start3A_96 : memref<128x128xbf16, #tpu.memory_space<vmem>>) target(%dma_start3A_92 : memref<128x128xbf16, #tpu.memory_space<vmem_shared>>) target_semaphore(%run_scoped3A_85 : memref<!tpu.dma_semaphore, #tpu.memory_space<semaphore_mem>>)
      %dma_wait3A = arith.constant 0 : i32
      %dma_wait3A_97 = arith.constant 0 : i32
      %dma_wait3A_98 = tpu.memref_slice %arg9[%run_scoped3A_59, %dma_wait3A, %dma_wait3A_97] : memref<2x128x128xbf16, #tpu.memory_space<vmem>> -> memref<1x128x128xbf16, #tpu.memory_space<vmem>>
      %dma_wait3A_99 = tpu.memref_squeeze %dma_wait3A_98 : memref<1x128x128xbf16, #tpu.memory_space<vmem>> -> memref<128x128xbf16, #tpu.memory_space<vmem>>
      %dma_wait3A_100 = arith.constant 0 : i32
      %dma_wait3A_101 = tpu.memref_slice %arg7[%add3A_58, %dma_wait3A_100] : memref<10240x128xbf16, #tpu.memory_space<vmem_shared>> -> memref<128x128xbf16, #tpu.memory_space<vmem_shared>>
      %dma_wait3A_102 = arith.constant 0 : i32
      %dma_wait3A_103 = tpu.memref_slice %arg7[%add3A_58, %dma_wait3A_102] : memref<10240x128xbf16, #tpu.memory_space<vmem_shared>> -> memref<128x128xbf16, #tpu.memory_space<vmem_shared>>
      %dma_wait3A_104 = arith.constant 0 : i32
      %dma_wait3A_105 = arith.constant 0 : i32
      %dma_wait3A_106 = tpu.memref_slice %arg9[%run_scoped3A_59, %dma_wait3A_104, %dma_wait3A_105] : memref<2x128x128xbf16, #tpu.memory_space<vmem>> -> memref<1x128x128xbf16, #tpu.memory_space<vmem>>
      %dma_wait3A_107 = tpu.memref_squeeze %dma_wait3A_106 : memref<1x128x128xbf16, #tpu.memory_space<vmem>> -> memref<128x128xbf16, #tpu.memory_space<vmem>>
      tpu.wait_dma2 semaphore(%run_scoped3A_85 : memref<!tpu.dma_semaphore, #tpu.memory_space<semaphore_mem>>) src(%dma_wait3A_107 : memref<128x128xbf16, #tpu.memory_space<vmem>>) dst(%dma_wait3A_103 : memref<128x128xbf16, #tpu.memory_space<vmem_shared>>)
      tpu.yield
    }) : () -> ()
    %mul3A_60 = arith.constant 640 : i32
    %mul3A_61 = arith.muli %arg1, %mul3A_60 : i32
    %add3A_62 = arith.constant 384 : i32
    %add3A_63 = arith.addi %mul3A_61, %add3A_62 : i32
    %run_scoped3A_64 = arith.constant 0 : i32
    "tpu.region"() ({
      %run_scoped3A_85 = tpu.sem_alloc : memref<!tpu.dma_semaphore, #tpu.memory_space<semaphore_mem>>
      %dma_start3A = arith.constant 0 : i32
      %dma_start3A_86 = arith.constant 0 : i32
      %dma_start3A_87 = tpu.memref_slice %arg9[%run_scoped3A_64, %dma_start3A, %dma_start3A_86] : memref<2x128x128xbf16, #tpu.memory_space<vmem>> -> memref<1x128x128xbf16, #tpu.memory_space<vmem>>
      %dma_start3A_88 = tpu.memref_squeeze %dma_start3A_87 : memref<1x128x128xbf16, #tpu.memory_space<vmem>> -> memref<128x128xbf16, #tpu.memory_space<vmem>>
      %dma_start3A_89 = arith.constant 0 : i32
      %dma_start3A_90 = tpu.memref_slice %arg7[%add3A_63, %dma_start3A_89] : memref<10240x128xbf16, #tpu.memory_space<vmem_shared>> -> memref<128x128xbf16, #tpu.memory_space<vmem_shared>>
      %dma_start3A_91 = arith.constant 0 : i32
      %dma_start3A_92 = tpu.memref_slice %arg7[%add3A_63, %dma_start3A_91] : memref<10240x128xbf16, #tpu.memory_space<vmem_shared>> -> memref<128x128xbf16, #tpu.memory_space<vmem_shared>>
      %dma_start3A_93 = arith.constant 0 : i32
      %dma_start3A_94 = arith.constant 0 : i32
      %dma_start3A_95 = tpu.memref_slice %arg9[%run_scoped3A_64, %dma_start3A_93, %dma_start3A_94] : memref<2x128x128xbf16, #tpu.memory_space<vmem>> -> memref<1x128x128xbf16, #tpu.memory_space<vmem>>
      %dma_start3A_96 = tpu.memref_squeeze %dma_start3A_95 : memref<1x128x128xbf16, #tpu.memory_space<vmem>> -> memref<128x128xbf16, #tpu.memory_space<vmem>>
      tpu.enqueue_dma source(%dma_start3A_96 : memref<128x128xbf16, #tpu.memory_space<vmem>>) target(%dma_start3A_92 : memref<128x128xbf16, #tpu.memory_space<vmem_shared>>) target_semaphore(%run_scoped3A_85 : memref<!tpu.dma_semaphore, #tpu.memory_space<semaphore_mem>>)
      %dma_wait3A = arith.constant 0 : i32
      %dma_wait3A_97 = arith.constant 0 : i32
      %dma_wait3A_98 = tpu.memref_slice %arg9[%run_scoped3A_64, %dma_wait3A, %dma_wait3A_97] : memref<2x128x128xbf16, #tpu.memory_space<vmem>> -> memref<1x128x128xbf16, #tpu.memory_space<vmem>>
      %dma_wait3A_99 = tpu.memref_squeeze %dma_wait3A_98 : memref<1x128x128xbf16, #tpu.memory_space<vmem>> -> memref<128x128xbf16, #tpu.memory_space<vmem>>
      %dma_wait3A_100 = arith.constant 0 : i32
      %dma_wait3A_101 = tpu.memref_slice %arg7[%add3A_63, %dma_wait3A_100] : memref<10240x128xbf16, #tpu.memory_space<vmem_shared>> -> memref<128x128xbf16, #tpu.memory_space<vmem_shared>>
      %dma_wait3A_102 = arith.constant 0 : i32
      %dma_wait3A_103 = tpu.memref_slice %arg7[%add3A_63, %dma_wait3A_102] : memref<10240x128xbf16, #tpu.memory_space<vmem_shared>> -> memref<128x128xbf16, #tpu.memory_space<vmem_shared>>
      %dma_wait3A_104 = arith.constant 0 : i32
      %dma_wait3A_105 = arith.constant 0 : i32
      %dma_wait3A_106 = tpu.memref_slice %arg9[%run_scoped3A_64, %dma_wait3A_104, %dma_wait3A_105] : memref<2x128x128xbf16, #tpu.memory_space<vmem>> -> memref<1x128x128xbf16, #tpu.memory_space<vmem>>
      %dma_wait3A_107 = tpu.memref_squeeze %dma_wait3A_106 : memref<1x128x128xbf16, #tpu.memory_space<vmem>> -> memref<128x128xbf16, #tpu.memory_space<vmem>>
      tpu.wait_dma2 semaphore(%run_scoped3A_85 : memref<!tpu.dma_semaphore, #tpu.memory_space<semaphore_mem>>) src(%dma_wait3A_107 : memref<128x128xbf16, #tpu.memory_space<vmem>>) dst(%dma_wait3A_103 : memref<128x128xbf16, #tpu.memory_space<vmem_shared>>)
      tpu.yield
    }) : () -> ()
    %mul3A_65 = arith.constant 640 : i32
    %mul3A_66 = arith.muli %arg1, %mul3A_65 : i32
    %add3A_67 = arith.constant 512 : i32
    %add3A_68 = arith.addi %mul3A_66, %add3A_67 : i32
    %run_scoped3A_69 = arith.constant 0 : i32
    "tpu.region"() ({
      %run_scoped3A_85 = tpu.sem_alloc : memref<!tpu.dma_semaphore, #tpu.memory_space<semaphore_mem>>
      %dma_start3A = arith.constant 0 : i32
      %dma_start3A_86 = arith.constant 0 : i32
      %dma_start3A_87 = tpu.memref_slice %arg9[%run_scoped3A_69, %dma_start3A, %dma_start3A_86] : memref<2x128x128xbf16, #tpu.memory_space<vmem>> -> memref<1x128x128xbf16, #tpu.memory_space<vmem>>
      %dma_start3A_88 = tpu.memref_squeeze %dma_start3A_87 : memref<1x128x128xbf16, #tpu.memory_space<vmem>> -> memref<128x128xbf16, #tpu.memory_space<vmem>>
      %dma_start3A_89 = arith.constant 0 : i32
      %dma_start3A_90 = tpu.memref_slice %arg7[%add3A_68, %dma_start3A_89] : memref<10240x128xbf16, #tpu.memory_space<vmem_shared>> -> memref<128x128xbf16, #tpu.memory_space<vmem_shared>>
      %dma_start3A_91 = arith.constant 0 : i32
      %dma_start3A_92 = tpu.memref_slice %arg7[%add3A_68, %dma_start3A_91] : memref<10240x128xbf16, #tpu.memory_space<vmem_shared>> -> memref<128x128xbf16, #tpu.memory_space<vmem_shared>>
      %dma_start3A_93 = arith.constant 0 : i32
      %dma_start3A_94 = arith.constant 0 : i32
      %dma_start3A_95 = tpu.memref_slice %arg9[%run_scoped3A_69, %dma_start3A_93, %dma_start3A_94] : memref<2x128x128xbf16, #tpu.memory_space<vmem>> -> memref<1x128x128xbf16, #tpu.memory_space<vmem>>
      %dma_start3A_96 = tpu.memref_squeeze %dma_start3A_95 : memref<1x128x128xbf16, #tpu.memory_space<vmem>> -> memref<128x128xbf16, #tpu.memory_space<vmem>>
      tpu.enqueue_dma source(%dma_start3A_96 : memref<128x128xbf16, #tpu.memory_space<vmem>>) target(%dma_start3A_92 : memref<128x128xbf16, #tpu.memory_space<vmem_shared>>) target_semaphore(%run_scoped3A_85 : memref<!tpu.dma_semaphore, #tpu.memory_space<semaphore_mem>>)
      %dma_wait3A = arith.constant 0 : i32
      %dma_wait3A_97 = arith.constant 0 : i32
      %dma_wait3A_98 = tpu.memref_slice %arg9[%run_scoped3A_69, %dma_wait3A, %dma_wait3A_97] : memref<2x128x128xbf16, #tpu.memory_space<vmem>> -> memref<1x128x128xbf16, #tpu.memory_space<vmem>>
      %dma_wait3A_99 = tpu.memref_squeeze %dma_wait3A_98 : memref<1x128x128xbf16, #tpu.memory_space<vmem>> -> memref<128x128xbf16, #tpu.memory_space<vmem>>
      %dma_wait3A_100 = arith.constant 0 : i32
      %dma_wait3A_101 = tpu.memref_slice %arg7[%add3A_68, %dma_wait3A_100] : memref<10240x128xbf16, #tpu.memory_space<vmem_shared>> -> memref<128x128xbf16, #tpu.memory_space<vmem_shared>>
      %dma_wait3A_102 = arith.constant 0 : i32
      %dma_wait3A_103 = tpu.memref_slice %arg7[%add3A_68, %dma_wait3A_102] : memref<10240x128xbf16, #tpu.memory_space<vmem_shared>> -> memref<128x128xbf16, #tpu.memory_space<vmem_shared>>
      %dma_wait3A_104 = arith.constant 0 : i32
      %dma_wait3A_105 = arith.constant 0 : i32
      %dma_wait3A_106 = tpu.memref_slice %arg9[%run_scoped3A_69, %dma_wait3A_104, %dma_wait3A_105] : memref<2x128x128xbf16, #tpu.memory_space<vmem>> -> memref<1x128x128xbf16, #tpu.memory_space<vmem>>
      %dma_wait3A_107 = tpu.memref_squeeze %dma_wait3A_106 : memref<1x128x128xbf16, #tpu.memory_space<vmem>> -> memref<128x128xbf16, #tpu.memory_space<vmem>>
      tpu.wait_dma2 semaphore(%run_scoped3A_85 : memref<!tpu.dma_semaphore, #tpu.memory_space<semaphore_mem>>) src(%dma_wait3A_107 : memref<128x128xbf16, #tpu.memory_space<vmem>>) dst(%dma_wait3A_103 : memref<128x128xbf16, #tpu.memory_space<vmem_shared>>)
      tpu.yield
    }) : () -> ()
    %barrier3A = arith.constant 0 : index
    tpu.barrier barrier_id(%barrier3A)
    %broadcast_in_dim3A_70 = arith.constant 1.000000e+00 : f32
    %broadcast_in_dim3A_71 = vector.broadcast %broadcast_in_dim3A_70 : f32 to vector<16xf32>
    %gt3A = arith.constant 0 : i32
    %gt3A_72 = arith.cmpi sgt, %select_n3A_31, %gt3A : i32
    %convert_element_type3A = arith.extui %gt3A_72 : i1 to i32
    %cond3A = arith.constant 0 : i32
    %cond3A_73 = arith.cmpi ne, %convert_element_type3A, %cond3A : i32
    scf.if %cond3A_73 {
      %add3A_85 = arith.constant 0 : i32
      %add3A_86 = arith.addi %add3A_3, %add3A_85 : i32
      %mul3A_87 = arith.constant 128 : i32
      %mul3A_88 = arith.muli %add3A_86, %mul3A_87 : i32
      %run_scoped3A_89 = arith.constant 0 : i32
      "tpu.region"() ({
        %run_scoped3A_119 = tpu.sem_alloc : memref<!tpu.dma_semaphore, #tpu.memory_space<semaphore_mem>>
        %dma_start3A_120 = arith.constant 0 : i32
        %dma_start3A_121 = arith.constant 0 : i32
        %dma_start3A_122 = tpu.memref_slice %arg8[%run_scoped3A_89, %dma_start3A_120, %dma_start3A_121] : memref<2x2x128xi32, #tpu.memory_space<vmem>> -> memref<1x2x128xi32, #tpu.memory_space<vmem>>
        %dma_start3A_123 = tpu.memref_squeeze %dma_start3A_122 : memref<1x2x128xi32, #tpu.memory_space<vmem>> -> memref<2x128xi32, #tpu.memory_space<vmem>>
        %dma_start3A_124 = arith.constant 0 : i32
        %dma_start3A_125 = tpu.memref_slice %arg3[%dma_start3A_124, %mul3A_88] : memref<2x320000xi32, #tpu.memory_space<hbm>> -> memref<2x128xi32, #tpu.memory_space<hbm>>
        %dma_start3A_126 = arith.constant 0 : i32
        %dma_start3A_127 = arith.constant 0 : i32
        %dma_start3A_128 = tpu.memref_slice %arg8[%run_scoped3A_89, %dma_start3A_126, %dma_start3A_127] : memref<2x2x128xi32, #tpu.memory_space<vmem>> -> memref<1x2x128xi32, #tpu.memory_space<vmem>>
        %dma_start3A_129 = tpu.memref_squeeze %dma_start3A_128 : memref<1x2x128xi32, #tpu.memory_space<vmem>> -> memref<2x128xi32, #tpu.memory_space<vmem>>
        %dma_start3A_130 = arith.constant 0 : i32
        %dma_start3A_131 = tpu.memref_slice %arg3[%dma_start3A_130, %mul3A_88] : memref<2x320000xi32, #tpu.memory_space<hbm>> -> memref<2x128xi32, #tpu.memory_space<hbm>>
        tpu.enqueue_dma source(%dma_start3A_131 : memref<2x128xi32, #tpu.memory_space<hbm>>) target(%dma_start3A_129 : memref<2x128xi32, #tpu.memory_space<vmem>>) target_semaphore(%run_scoped3A_119 : memref<!tpu.dma_semaphore, #tpu.memory_space<semaphore_mem>>)
        %dma_wait3A = arith.constant 0 : i32
        %dma_wait3A_132 = arith.constant 0 : i32
        %dma_wait3A_133 = tpu.memref_slice %arg8[%run_scoped3A_89, %dma_wait3A, %dma_wait3A_132] : memref<2x2x128xi32, #tpu.memory_space<vmem>> -> memref<1x2x128xi32, #tpu.memory_space<vmem>>
        %dma_wait3A_134 = tpu.memref_squeeze %dma_wait3A_133 : memref<1x2x128xi32, #tpu.memory_space<vmem>> -> memref<2x128xi32, #tpu.memory_space<vmem>>
        %dma_wait3A_135 = arith.constant 0 : i32
        %dma_wait3A_136 = tpu.memref_slice %arg3[%dma_wait3A_135, %mul3A_88] : memref<2x320000xi32, #tpu.memory_space<hbm>> -> memref<2x128xi32, #tpu.memory_space<hbm>>
        %dma_wait3A_137 = arith.constant 0 : i32
        %dma_wait3A_138 = arith.constant 0 : i32
        %dma_wait3A_139 = tpu.memref_slice %arg8[%run_scoped3A_89, %dma_wait3A_137, %dma_wait3A_138] : memref<2x2x128xi32, #tpu.memory_space<vmem>> -> memref<1x2x128xi32, #tpu.memory_space<vmem>>
        %dma_wait3A_140 = tpu.memref_squeeze %dma_wait3A_139 : memref<1x2x128xi32, #tpu.memory_space<vmem>> -> memref<2x128xi32, #tpu.memory_space<vmem>>
        %dma_wait3A_141 = arith.constant 0 : i32
        %dma_wait3A_142 = tpu.memref_slice %arg3[%dma_wait3A_141, %mul3A_88] : memref<2x320000xi32, #tpu.memory_space<hbm>> -> memref<2x128xi32, #tpu.memory_space<hbm>>
        tpu.wait_dma2 semaphore(%run_scoped3A_119 : memref<!tpu.dma_semaphore, #tpu.memory_space<semaphore_mem>>) src(%dma_wait3A_142 : memref<2x128xi32, #tpu.memory_space<hbm>>) dst(%dma_wait3A_140 : memref<2x128xi32, #tpu.memory_space<vmem>>)
        tpu.yield
      }) : () -> ()
      %dma_start3A = arith.constant 0 : i32
      %dma_start3A_90 = arith.constant 0 : i32
      %dma_start3A_91 = arith.constant 0 : i32
      %dma_start3A_92 = arith.constant 0 : i32
      %dma_start3A_93 = arith.constant 0 : i32
      %dma_start3A_94 = arith.constant 0 : i32
      %dma_start3A_95 = tpu.memref_slice %arg9[%dma_start3A_91, %dma_start3A_93, %dma_start3A_94] : memref<2x128x128xbf16, #tpu.memory_space<vmem>> -> memref<1x128x128xbf16, #tpu.memory_space<vmem>>
      %dma_start3A_96 = tpu.memref_squeeze %dma_start3A_95 : memref<1x128x128xbf16, #tpu.memory_space<vmem>> -> memref<128x128xbf16, #tpu.memory_space<vmem>>
      %dma_start3A_97 = arith.constant 0 : i32
      %dma_start3A_98 = tpu.memref_slice %arg8[%dma_start3A, %dma_start3A_90, %dma_start3A_97] : memref<2x2x128xi32, #tpu.memory_space<vmem>> -> memref<1x1x128xi32, #tpu.memory_space<vmem>>
      %dma_start3A_99 = tpu.memref_squeeze %dma_start3A_98 : memref<1x1x128xi32, #tpu.memory_space<vmem>> -> memref<128xi32, #tpu.memory_space<vmem>>
      %dma_start3A_100 = arith.constant 0 : i32
      %dma_start3A_101 = arith.constant 0 : i32
      %dma_start3A_102 = tpu.memref_slice %arg2[%dma_start3A_100, %dma_start3A_101] : memref<10000x128xbf16, #tpu.memory_space<hbm>> -> memref<10000x128xbf16, #tpu.memory_space<hbm>>
      %dma_start3A_103 = tpu.memref_slice %arg11[%dma_start3A_92] : memref<2x!tpu.dma_semaphore, #tpu.memory_space<semaphore_mem>> -> memref<1x!tpu.dma_semaphore, #tpu.memory_space<semaphore_mem>>
      %dma_start3A_104 = tpu.memref_squeeze %dma_start3A_103 : memref<1x!tpu.dma_semaphore, #tpu.memory_space<semaphore_mem>> -> memref<!tpu.dma_semaphore, #tpu.memory_space<semaphore_mem>>
      tpu.enqueue_indirect_dma source(%dma_start3A_102 : memref<10000x128xbf16, #tpu.memory_space<hbm>>) target(%dma_start3A_96 : memref<128x128xbf16, #tpu.memory_space<vmem>>) offsets(%dma_start3A_99 : memref<128xi32, #tpu.memory_space<vmem>>) semaphore(%dma_start3A_104 : memref<!tpu.dma_semaphore, #tpu.memory_space<semaphore_mem>>)
      %gt3A_105 = arith.constant 1 : i32
      %gt3A_106 = arith.cmpi sgt, %select_n3A_31, %gt3A_105 : i32
      %convert_element_type3A_107 = arith.extui %gt3A_106 : i1 to i32
      %cond3A_108 = arith.constant 0 : i32
      %cond3A_109 = arith.cmpi ne, %convert_element_type3A_107, %cond3A_108 : i32
      scf.if %cond3A_109 {
        %add3A_119 = arith.constant 16 : i32
        %add3A_120 = arith.addi %add3A_3, %add3A_119 : i32
        %mul3A_121 = arith.constant 128 : i32
        %mul3A_122 = arith.muli %add3A_120, %mul3A_121 : i32
        %dma_start3A_123 = arith.constant 1 : i32
        %dma_start3A_124 = arith.constant 1 : i32
        %dma_start3A_125 = arith.constant 0 : i32
        %dma_start3A_126 = arith.constant 0 : i32
        %dma_start3A_127 = tpu.memref_slice %arg8[%dma_start3A_123, %dma_start3A_125, %dma_start3A_126] : memref<2x2x128xi32, #tpu.memory_space<vmem>> -> memref<1x2x128xi32, #tpu.memory_space<vmem>>
        %dma_start3A_128 = tpu.memref_squeeze %dma_start3A_127 : memref<1x2x128xi32, #tpu.memory_space<vmem>> -> memref<2x128xi32, #tpu.memory_space<vmem>>
        %dma_start3A_129 = arith.constant 0 : i32
        %dma_start3A_130 = tpu.memref_slice %arg3[%dma_start3A_129, %mul3A_122] : memref<2x320000xi32, #tpu.memory_space<hbm>> -> memref<2x128xi32, #tpu.memory_space<hbm>>
        %dma_start3A_131 = tpu.memref_slice %arg12[%dma_start3A_124] : memref<2x!tpu.dma_semaphore, #tpu.memory_space<semaphore_mem>> -> memref<1x!tpu.dma_semaphore, #tpu.memory_space<semaphore_mem>>
        %dma_start3A_132 = tpu.memref_squeeze %dma_start3A_131 : memref<1x!tpu.dma_semaphore, #tpu.memory_space<semaphore_mem>> -> memref<!tpu.dma_semaphore, #tpu.memory_space<semaphore_mem>>
        %dma_start3A_133 = arith.constant 0 : i32
        %dma_start3A_134 = arith.constant 0 : i32
        %dma_start3A_135 = tpu.memref_slice %arg8[%dma_start3A_123, %dma_start3A_133, %dma_start3A_134] : memref<2x2x128xi32, #tpu.memory_space<vmem>> -> memref<1x2x128xi32, #tpu.memory_space<vmem>>
        %dma_start3A_136 = tpu.memref_squeeze %dma_start3A_135 : memref<1x2x128xi32, #tpu.memory_space<vmem>> -> memref<2x128xi32, #tpu.memory_space<vmem>>
        %dma_start3A_137 = arith.constant 0 : i32
        %dma_start3A_138 = tpu.memref_slice %arg3[%dma_start3A_137, %mul3A_122] : memref<2x320000xi32, #tpu.memory_space<hbm>> -> memref<2x128xi32, #tpu.memory_space<hbm>>
        tpu.enqueue_dma source(%dma_start3A_138 : memref<2x128xi32, #tpu.memory_space<hbm>>) target(%dma_start3A_136 : memref<2x128xi32, #tpu.memory_space<vmem>>) target_semaphore(%dma_start3A_132 : memref<!tpu.dma_semaphore, #tpu.memory_space<semaphore_mem>>)
      } else {
      }
      %while3A = arith.constant 0 : i32
      %while3A_110 = arith.constant 0 : i32
      %while3A_111 = arith.subi %select_n3A_31, %while3A_110 : i32
      %while3A_112 = arith.addi %while3A_110, %while3A_111 : i32
      %while3A_113 = arith.constant 1 : i32
      %while3A_114 = arith.divsi %while3A_111, %while3A_113 : i32
      %while3A_115 = arith.muli %while3A_114, %while3A_113 : i32
      %while3A_116 = arith.addi %while3A_110, %while3A_115 : i32
      %while3A_117 = arith.constant 1 : i32
      scf.for %while3A_119 = %while3A_110 to %while3A_116 step %while3A_117  : i32 {
        %rem3A_120 = arith.constant 2 : i32
        %rem3A_121 = arith.remsi %while3A_119, %rem3A_120 : i32
        %add3A_122 = arith.constant 1 : i32
        %add3A_123 = arith.addi %while3A_119, %add3A_122 : i32
        %rem3A_124 = arith.constant 2 : i32
        %rem3A_125 = arith.remsi %add3A_123, %rem3A_124 : i32
        %add3A_126 = arith.constant 1 : i32
        %add3A_127 = arith.addi %while3A_119, %add3A_126 : i32
        %lt3A = arith.cmpi slt, %add3A_127, %select_n3A_31 : i32
        %convert_element_type3A_128 = arith.extui %lt3A : i1 to i32
        %cond3A_129 = arith.constant 0 : i32
        %cond3A_130 = arith.cmpi ne, %convert_element_type3A_128, %cond3A_129 : i32
        scf.if %cond3A_130 {
          %add3A_189 = arith.constant 1 : i32
          %add3A_190 = arith.addi %while3A_119, %add3A_189 : i32
          %mul3A_191 = arith.constant 16 : i32
          %mul3A_192 = arith.muli %add3A_190, %mul3A_191 : i32
          %add3A_193 = arith.addi %add3A_3, %mul3A_192 : i32
          %mul3A_194 = arith.constant 128 : i32
          %mul3A_195 = arith.muli %add3A_193, %mul3A_194 : i32
          %dma_wait3A_196 = arith.constant 0 : i32
          %dma_wait3A_197 = arith.constant 0 : i32
          %dma_wait3A_198 = tpu.memref_slice %arg8[%rem3A_125, %dma_wait3A_196, %dma_wait3A_197] : memref<2x2x128xi32, #tpu.memory_space<vmem>> -> memref<1x2x128xi32, #tpu.memory_space<vmem>>
          %dma_wait3A_199 = tpu.memref_squeeze %dma_wait3A_198 : memref<1x2x128xi32, #tpu.memory_space<vmem>> -> memref<2x128xi32, #tpu.memory_space<vmem>>
          %dma_wait3A_200 = arith.constant 0 : i32
          %dma_wait3A_201 = tpu.memref_slice %arg3[%dma_wait3A_200, %mul3A_195] : memref<2x320000xi32, #tpu.memory_space<hbm>> -> memref<2x128xi32, #tpu.memory_space<hbm>>
          %dma_wait3A_202 = tpu.memref_slice %arg12[%rem3A_125] : memref<2x!tpu.dma_semaphore, #tpu.memory_space<semaphore_mem>> -> memref<1x!tpu.dma_semaphore, #tpu.memory_space<semaphore_mem>>
          %dma_wait3A_203 = tpu.memref_squeeze %dma_wait3A_202 : memref<1x!tpu.dma_semaphore, #tpu.memory_space<semaphore_mem>> -> memref<!tpu.dma_semaphore, #tpu.memory_space<semaphore_mem>>
          %dma_wait3A_204 = arith.constant 0 : i32
          %dma_wait3A_205 = arith.constant 0 : i32
          %dma_wait3A_206 = tpu.memref_slice %arg8[%rem3A_125, %dma_wait3A_204, %dma_wait3A_205] : memref<2x2x128xi32, #tpu.memory_space<vmem>> -> memref<1x2x128xi32, #tpu.memory_space<vmem>>
          %dma_wait3A_207 = tpu.memref_squeeze %dma_wait3A_206 : memref<1x2x128xi32, #tpu.memory_space<vmem>> -> memref<2x128xi32, #tpu.memory_space<vmem>>
          %dma_wait3A_208 = arith.constant 0 : i32
          %dma_wait3A_209 = tpu.memref_slice %arg3[%dma_wait3A_208, %mul3A_195] : memref<2x320000xi32, #tpu.memory_space<hbm>> -> memref<2x128xi32, #tpu.memory_space<hbm>>
          tpu.wait_dma2 semaphore(%dma_wait3A_203 : memref<!tpu.dma_semaphore, #tpu.memory_space<semaphore_mem>>) src(%dma_wait3A_209 : memref<2x128xi32, #tpu.memory_space<hbm>>) dst(%dma_wait3A_207 : memref<2x128xi32, #tpu.memory_space<vmem>>)
          %dma_start3A_210 = arith.constant 0 : i32
          %dma_start3A_211 = arith.constant 0 : i32
          %dma_start3A_212 = arith.constant 0 : i32
          %dma_start3A_213 = tpu.memref_slice %arg9[%rem3A_125, %dma_start3A_211, %dma_start3A_212] : memref<2x128x128xbf16, #tpu.memory_space<vmem>> -> memref<1x128x128xbf16, #tpu.memory_space<vmem>>
          %dma_start3A_214 = tpu.memref_squeeze %dma_start3A_213 : memref<1x128x128xbf16, #tpu.memory_space<vmem>> -> memref<128x128xbf16, #tpu.memory_space<vmem>>
          %dma_start3A_215 = arith.constant 0 : i32
          %dma_start3A_216 = tpu.memref_slice %arg8[%rem3A_125, %dma_start3A_210, %dma_start3A_215] : memref<2x2x128xi32, #tpu.memory_space<vmem>> -> memref<1x1x128xi32, #tpu.memory_space<vmem>>
          %dma_start3A_217 = tpu.memref_squeeze %dma_start3A_216 : memref<1x1x128xi32, #tpu.memory_space<vmem>> -> memref<128xi32, #tpu.memory_space<vmem>>
          %dma_start3A_218 = arith.constant 0 : i32
          %dma_start3A_219 = arith.constant 0 : i32
          %dma_start3A_220 = tpu.memref_slice %arg2[%dma_start3A_218, %dma_start3A_219] : memref<10000x128xbf16, #tpu.memory_space<hbm>> -> memref<10000x128xbf16, #tpu.memory_space<hbm>>
          %dma_start3A_221 = tpu.memref_slice %arg11[%rem3A_125] : memref<2x!tpu.dma_semaphore, #tpu.memory_space<semaphore_mem>> -> memref<1x!tpu.dma_semaphore, #tpu.memory_space<semaphore_mem>>
          %dma_start3A_222 = tpu.memref_squeeze %dma_start3A_221 : memref<1x!tpu.dma_semaphore, #tpu.memory_space<semaphore_mem>> -> memref<!tpu.dma_semaphore, #tpu.memory_space<semaphore_mem>>
          tpu.enqueue_indirect_dma source(%dma_start3A_220 : memref<10000x128xbf16, #tpu.memory_space<hbm>>) target(%dma_start3A_214 : memref<128x128xbf16, #tpu.memory_space<vmem>>) offsets(%dma_start3A_217 : memref<128xi32, #tpu.memory_space<vmem>>) semaphore(%dma_start3A_222 : memref<!tpu.dma_semaphore, #tpu.memory_space<semaphore_mem>>)
        } else {
        }
        %get3A = arith.constant 1 : i32
        %get3A_131 = arith.index_cast %rem3A_121 : i32 to index
        %get3A_132 = arith.index_cast %get3A : i32 to index
        %get3A_133 = arith.constant 0 : index
        %get3A_134 = tpu.vector_load %arg8[%get3A_131, %get3A_132, %get3A_133] {strides = array<i32>} : memref<2x2x128xi32, #tpu.memory_space<vmem>>, vector<16xi32>,
        tpu.vector_store_idx %arg10[%get3A_134], %broadcast_in_dim3A_71 {add = true} : memref<10240xf32, #tpu.memory_space<vmem>>[vector<16xi32>], vector<16xf32>,
        %get3A_135 = arith.constant 1 : i32
        %get3A_136 = arith.index_cast %rem3A_121 : i32 to index
        %get3A_137 = arith.index_cast %get3A_135 : i32 to index
        %get3A_138 = arith.constant 16 : index
        %get3A_139 = tpu.vector_load %arg8[%get3A_136, %get3A_137, %get3A_138] {strides = array<i32>} : memref<2x2x128xi32, #tpu.memory_space<vmem>>, vector<16xi32>,
        tpu.vector_store_idx %arg10[%get3A_139], %broadcast_in_dim3A_71 {add = true} : memref<10240xf32, #tpu.memory_space<vmem>>[vector<16xi32>], vector<16xf32>,
        %get3A_140 = arith.constant 1 : i32
        %get3A_141 = arith.index_cast %rem3A_121 : i32 to index
        %get3A_142 = arith.index_cast %get3A_140 : i32 to index
        %get3A_143 = arith.constant 32 : index
        %get3A_144 = tpu.vector_load %arg8[%get3A_141, %get3A_142, %get3A_143] {strides = array<i32>} : memref<2x2x128xi32, #tpu.memory_space<vmem>>, vector<16xi32>,
        tpu.vector_store_idx %arg10[%get3A_144], %broadcast_in_dim3A_71 {add = true} : memref<10240xf32, #tpu.memory_space<vmem>>[vector<16xi32>], vector<16xf32>,
        %get3A_145 = arith.constant 1 : i32
        %get3A_146 = arith.index_cast %rem3A_121 : i32 to index
        %get3A_147 = arith.index_cast %get3A_145 : i32 to index
        %get3A_148 = arith.constant 48 : index
        %get3A_149 = tpu.vector_load %arg8[%get3A_146, %get3A_147, %get3A_148] {strides = array<i32>} : memref<2x2x128xi32, #tpu.memory_space<vmem>>, vector<16xi32>,
        tpu.vector_store_idx %arg10[%get3A_149], %broadcast_in_dim3A_71 {add = true} : memref<10240xf32, #tpu.memory_space<vmem>>[vector<16xi32>], vector<16xf32>,
        %get3A_150 = arith.constant 1 : i32
        %get3A_151 = arith.index_cast %rem3A_121 : i32 to index
        %get3A_152 = arith.index_cast %get3A_150 : i32 to index
        %get3A_153 = arith.constant 64 : index
        %get3A_154 = tpu.vector_load %arg8[%get3A_151, %get3A_152, %get3A_153] {strides = array<i32>} : memref<2x2x128xi32, #tpu.memory_space<vmem>>, vector<16xi32>,
        tpu.vector_store_idx %arg10[%get3A_154], %broadcast_in_dim3A_71 {add = true} : memref<10240xf32, #tpu.memory_space<vmem>>[vector<16xi32>], vector<16xf32>,
        %get3A_155 = arith.constant 1 : i32
        %get3A_156 = arith.index_cast %rem3A_121 : i32 to index
        %get3A_157 = arith.index_cast %get3A_155 : i32 to index
        %get3A_158 = arith.constant 80 : index
        %get3A_159 = tpu.vector_load %arg8[%get3A_156, %get3A_157, %get3A_158] {strides = array<i32>} : memref<2x2x128xi32, #tpu.memory_space<vmem>>, vector<16xi32>,
        tpu.vector_store_idx %arg10[%get3A_159], %broadcast_in_dim3A_71 {add = true} : memref<10240xf32, #tpu.memory_space<vmem>>[vector<16xi32>], vector<16xf32>,
        %get3A_160 = arith.constant 1 : i32
        %get3A_161 = arith.index_cast %rem3A_121 : i32 to index
        %get3A_162 = arith.index_cast %get3A_160 : i32 to index
        %get3A_163 = arith.constant 96 : index
        %get3A_164 = tpu.vector_load %arg8[%get3A_161, %get3A_162, %get3A_163] {strides = array<i32>} : memref<2x2x128xi32, #tpu.memory_space<vmem>>, vector<16xi32>,
        tpu.vector_store_idx %arg10[%get3A_164], %broadcast_in_dim3A_71 {add = true} : memref<10240xf32, #tpu.memory_space<vmem>>[vector<16xi32>], vector<16xf32>,
        %get3A_165 = arith.constant 1 : i32
        %get3A_166 = arith.index_cast %rem3A_121 : i32 to index
        %get3A_167 = arith.index_cast %get3A_165 : i32 to index
        %get3A_168 = arith.constant 112 : index
        %get3A_169 = tpu.vector_load %arg8[%get3A_166, %get3A_167, %get3A_168] {strides = array<i32>} : memref<2x2x128xi32, #tpu.memory_space<vmem>>, vector<16xi32>,
        tpu.vector_store_idx %arg10[%get3A_169], %broadcast_in_dim3A_71 {add = true} : memref<10240xf32, #tpu.memory_space<vmem>>[vector<16xi32>], vector<16xf32>,
        %dma_wait3A = arith.constant 0 : i32
        %dma_wait3A_170 = arith.constant 0 : i32
        %dma_wait3A_171 = arith.constant 0 : i32
        %dma_wait3A_172 = tpu.memref_slice %arg9[%rem3A_121, %dma_wait3A_170, %dma_wait3A_171] : memref<2x128x128xbf16, #tpu.memory_space<vmem>> -> memref<1x128x128xbf16, #tpu.memory_space<vmem>>
        %dma_wait3A_173 = tpu.memref_squeeze %dma_wait3A_172 : memref<1x128x128xbf16, #tpu.memory_space<vmem>> -> memref<128x128xbf16, #tpu.memory_space<vmem>>
        %dma_wait3A_174 = arith.constant 0 : i32
        %dma_wait3A_175 = tpu.memref_slice %arg8[%rem3A_121, %dma_wait3A, %dma_wait3A_174] : memref<2x2x128xi32, #tpu.memory_space<vmem>> -> memref<1x1x128xi32, #tpu.memory_space<vmem>>
        %dma_wait3A_176 = tpu.memref_squeeze %dma_wait3A_175 : memref<1x1x128xi32, #tpu.memory_space<vmem>> -> memref<128xi32, #tpu.memory_space<vmem>>
        %dma_wait3A_177 = arith.constant 0 : i32
        %dma_wait3A_178 = arith.constant 0 : i32
        %dma_wait3A_179 = tpu.memref_slice %arg2[%dma_wait3A_177, %dma_wait3A_178] : memref<10000x128xbf16, #tpu.memory_space<hbm>> -> memref<10000x128xbf16, #tpu.memory_space<hbm>>
        %dma_wait3A_180 = tpu.memref_slice %arg11[%rem3A_121] : memref<2x!tpu.dma_semaphore, #tpu.memory_space<semaphore_mem>> -> memref<1x!tpu.dma_semaphore, #tpu.memory_space<semaphore_mem>>
        %dma_wait3A_181 = tpu.memref_squeeze %dma_wait3A_180 : memref<1x!tpu.dma_semaphore, #tpu.memory_space<semaphore_mem>> -> memref<!tpu.dma_semaphore, #tpu.memory_space<semaphore_mem>>
        tpu.wait_indirect_dma semaphore(%dma_wait3A_181 : memref<!tpu.dma_semaphore, #tpu.memory_space<semaphore_mem>>) src(%dma_wait3A_179 : memref<10000x128xbf16, #tpu.memory_space<hbm>>) dst(%dma_wait3A_173 : memref<128x128xbf16, #tpu.memory_space<vmem>>)
        %run_scoped3A_182 = arith.constant 1 : i32
        "tpu.region"() ({
          %run_scoped3A_189 = tpu.sem_alloc : memref<!tpu.dma_semaphore, #tpu.memory_space<semaphore_mem>>
          %dma_start3A_190 = arith.constant 0 : i32
          %dma_start3A_191 = arith.constant 0 : i32
          %dma_start3A_192 = tpu.memref_slice %arg9[%rem3A_121, %dma_start3A_190, %dma_start3A_191] : memref<2x128x128xbf16, #tpu.memory_space<vmem>> -> memref<1x128x128xbf16, #tpu.memory_space<vmem>>
          %dma_start3A_193 = tpu.memref_squeeze %dma_start3A_192 : memref<1x128x128xbf16, #tpu.memory_space<vmem>> -> memref<128x128xbf16, #tpu.memory_space<vmem>>
          %dma_start3A_194 = arith.constant 0 : i32
          %dma_start3A_195 = tpu.memref_slice %arg8[%rem3A_121, %run_scoped3A_182, %dma_start3A_194] : memref<2x2x128xi32, #tpu.memory_space<vmem>> -> memref<1x1x128xi32, #tpu.memory_space<vmem>>
          %dma_start3A_196 = tpu.memref_squeeze %dma_start3A_195 : memref<1x1x128xi32, #tpu.memory_space<vmem>> -> memref<128xi32, #tpu.memory_space<vmem>>
          %dma_start3A_197 = arith.constant 0 : i32
          %dma_start3A_198 = arith.constant 0 : i32
          %dma_start3A_199 = tpu.memref_slice %arg7[%dma_start3A_197, %dma_start3A_198] : memref<10240x128xbf16, #tpu.memory_space<vmem_shared>> -> memref<10240x128xbf16, #tpu.memory_space<vmem_shared>>
          tpu.enqueue_indirect_dma source(%dma_start3A_193 : memref<128x128xbf16, #tpu.memory_space<vmem>>) target(%dma_start3A_199 : memref<10240x128xbf16, #tpu.memory_space<vmem_shared>>) offsets(%dma_start3A_196 : memref<128xi32, #tpu.memory_space<vmem>>) semaphore(%run_scoped3A_189 : memref<!tpu.dma_semaphore, #tpu.memory_space<semaphore_mem>>) {add = true}
          %dma_wait3A_200 = arith.constant 0 : i32
          %dma_wait3A_201 = arith.constant 0 : i32
          %dma_wait3A_202 = tpu.memref_slice %arg9[%rem3A_121, %dma_wait3A_200, %dma_wait3A_201] : memref<2x128x128xbf16, #tpu.memory_space<vmem>> -> memref<1x128x128xbf16, #tpu.memory_space<vmem>>
          %dma_wait3A_203 = tpu.memref_squeeze %dma_wait3A_202 : memref<1x128x128xbf16, #tpu.memory_space<vmem>> -> memref<128x128xbf16, #tpu.memory_space<vmem>>
          %dma_wait3A_204 = arith.constant 0 : i32
          %dma_wait3A_205 = tpu.memref_slice %arg8[%rem3A_121, %run_scoped3A_182, %dma_wait3A_204] : memref<2x2x128xi32, #tpu.memory_space<vmem>> -> memref<1x1x128xi32, #tpu.memory_space<vmem>>
          %dma_wait3A_206 = tpu.memref_squeeze %dma_wait3A_205 : memref<1x1x128xi32, #tpu.memory_space<vmem>> -> memref<128xi32, #tpu.memory_space<vmem>>
          %dma_wait3A_207 = arith.constant 0 : i32
          %dma_wait3A_208 = arith.constant 0 : i32
          %dma_wait3A_209 = tpu.memref_slice %arg7[%dma_wait3A_207, %dma_wait3A_208] : memref<10240x128xbf16, #tpu.memory_space<vmem_shared>> -> memref<10240x128xbf16, #tpu.memory_space<vmem_shared>>
          tpu.wait_indirect_dma semaphore(%run_scoped3A_189 : memref<!tpu.dma_semaphore, #tpu.memory_space<semaphore_mem>>) src(%dma_wait3A_203 : memref<128x128xbf16, #tpu.memory_space<vmem>>) dst(%dma_wait3A_209 : memref<10240x128xbf16, #tpu.memory_space<vmem_shared>>)
          tpu.yield
        }) : () -> ()
        %add3A_183 = arith.constant 2 : i32
        %add3A_184 = arith.addi %while3A_119, %add3A_183 : i32
        %lt3A_185 = arith.cmpi slt, %add3A_184, %select_n3A_31 : i32
        %convert_element_type3A_186 = arith.extui %lt3A_185 : i1 to i32
        %cond3A_187 = arith.constant 0 : i32
        %cond3A_188 = arith.cmpi ne, %convert_element_type3A_186, %cond3A_187 : i32
        scf.if %cond3A_188 {
          %add3A_189 = arith.constant 2 : i32
          %add3A_190 = arith.addi %while3A_119, %add3A_189 : i32
          %mul3A_191 = arith.constant 16 : i32
          %mul3A_192 = arith.muli %add3A_190, %mul3A_191 : i32
          %add3A_193 = arith.addi %add3A_3, %mul3A_192 : i32
          %mul3A_194 = arith.constant 128 : i32
          %mul3A_195 = arith.muli %add3A_193, %mul3A_194 : i32
          %dma_start3A_196 = arith.constant 0 : i32
          %dma_start3A_197 = arith.constant 0 : i32
          %dma_start3A_198 = tpu.memref_slice %arg8[%rem3A_121, %dma_start3A_196, %dma_start3A_197] : memref<2x2x128xi32, #tpu.memory_space<vmem>> -> memref<1x2x128xi32, #tpu.memory_space<vmem>>
          %dma_start3A_199 = tpu.memref_squeeze %dma_start3A_198 : memref<1x2x128xi32, #tpu.memory_space<vmem>> -> memref<2x128xi32, #tpu.memory_space<vmem>>
          %dma_start3A_200 = arith.constant 0 : i32
          %dma_start3A_201 = tpu.memref_slice %arg3[%dma_start3A_200, %mul3A_195] : memref<2x320000xi32, #tpu.memory_space<hbm>> -> memref<2x128xi32, #tpu.memory_space<hbm>>
          %dma_start3A_202 = tpu.memref_slice %arg12[%rem3A_121] : memref<2x!tpu.dma_semaphore, #tpu.memory_space<semaphore_mem>> -> memref<1x!tpu.dma_semaphore, #tpu.memory_space<semaphore_mem>>
          %dma_start3A_203 = tpu.memref_squeeze %dma_start3A_202 : memref<1x!tpu.dma_semaphore, #tpu.memory_space<semaphore_mem>> -> memref<!tpu.dma_semaphore, #tpu.memory_space<semaphore_mem>>
          %dma_start3A_204 = arith.constant 0 : i32
          %dma_start3A_205 = arith.constant 0 : i32
          %dma_start3A_206 = tpu.memref_slice %arg8[%rem3A_121, %dma_start3A_204, %dma_start3A_205] : memref<2x2x128xi32, #tpu.memory_space<vmem>> -> memref<1x2x128xi32, #tpu.memory_space<vmem>>
          %dma_start3A_207 = tpu.memref_squeeze %dma_start3A_206 : memref<1x2x128xi32, #tpu.memory_space<vmem>> -> memref<2x128xi32, #tpu.memory_space<vmem>>
          %dma_start3A_208 = arith.constant 0 : i32
          %dma_start3A_209 = tpu.memref_slice %arg3[%dma_start3A_208, %mul3A_195] : memref<2x320000xi32, #tpu.memory_space<hbm>> -> memref<2x128xi32, #tpu.memory_space<hbm>>
          tpu.enqueue_dma source(%dma_start3A_209 : memref<2x128xi32, #tpu.memory_space<hbm>>) target(%dma_start3A_207 : memref<2x128xi32, #tpu.memory_space<vmem>>) target_semaphore(%dma_start3A_203 : memref<!tpu.dma_semaphore, #tpu.memory_space<semaphore_mem>>)
        } else {
        }
      }
      %while3A_118 = arith.constant 1 : i32
      scf.for %while3A_119 = %while3A_116 to %while3A_112 step %while3A_118  : i32 {
        %rem3A_120 = arith.constant 2 : i32
        %rem3A_121 = arith.remsi %while3A_119, %rem3A_120 : i32
        %add3A_122 = arith.constant 1 : i32
        %add3A_123 = arith.addi %while3A_119, %add3A_122 : i32
        %rem3A_124 = arith.constant 2 : i32
        %rem3A_125 = arith.remsi %add3A_123, %rem3A_124 : i32
        %add3A_126 = arith.constant 1 : i32
        %add3A_127 = arith.addi %while3A_119, %add3A_126 : i32
        %lt3A = arith.cmpi slt, %add3A_127, %select_n3A_31 : i32
        %convert_element_type3A_128 = arith.extui %lt3A : i1 to i32
        %cond3A_129 = arith.constant 0 : i32
        %cond3A_130 = arith.cmpi ne, %convert_element_type3A_128, %cond3A_129 : i32
        scf.if %cond3A_130 {
          %add3A_189 = arith.constant 1 : i32
          %add3A_190 = arith.addi %while3A_119, %add3A_189 : i32
          %mul3A_191 = arith.constant 16 : i32
          %mul3A_192 = arith.muli %add3A_190, %mul3A_191 : i32
          %add3A_193 = arith.addi %add3A_3, %mul3A_192 : i32
          %mul3A_194 = arith.constant 128 : i32
          %mul3A_195 = arith.muli %add3A_193, %mul3A_194 : i32
          %dma_wait3A_196 = arith.constant 0 : i32
          %dma_wait3A_197 = arith.constant 0 : i32
          %dma_wait3A_198 = tpu.memref_slice %arg8[%rem3A_125, %dma_wait3A_196, %dma_wait3A_197] : memref<2x2x128xi32, #tpu.memory_space<vmem>> -> memref<1x2x128xi32, #tpu.memory_space<vmem>>
          %dma_wait3A_199 = tpu.memref_squeeze %dma_wait3A_198 : memref<1x2x128xi32, #tpu.memory_space<vmem>> -> memref<2x128xi32, #tpu.memory_space<vmem>>
          %dma_wait3A_200 = arith.constant 0 : i32
          %dma_wait3A_201 = tpu.memref_slice %arg3[%dma_wait3A_200, %mul3A_195] : memref<2x320000xi32, #tpu.memory_space<hbm>> -> memref<2x128xi32, #tpu.memory_space<hbm>>
          %dma_wait3A_202 = tpu.memref_slice %arg12[%rem3A_125] : memref<2x!tpu.dma_semaphore, #tpu.memory_space<semaphore_mem>> -> memref<1x!tpu.dma_semaphore, #tpu.memory_space<semaphore_mem>>
          %dma_wait3A_203 = tpu.memref_squeeze %dma_wait3A_202 : memref<1x!tpu.dma_semaphore, #tpu.memory_space<semaphore_mem>> -> memref<!tpu.dma_semaphore, #tpu.memory_space<semaphore_mem>>
          %dma_wait3A_204 = arith.constant 0 : i32
          %dma_wait3A_205 = arith.constant 0 : i32
          %dma_wait3A_206 = tpu.memref_slice %arg8[%rem3A_125, %dma_wait3A_204, %dma_wait3A_205] : memref<2x2x128xi32, #tpu.memory_space<vmem>> -> memref<1x2x128xi32, #tpu.memory_space<vmem>>
          %dma_wait3A_207 = tpu.memref_squeeze %dma_wait3A_206 : memref<1x2x128xi32, #tpu.memory_space<vmem>> -> memref<2x128xi32, #tpu.memory_space<vmem>>
          %dma_wait3A_208 = arith.constant 0 : i32
          %dma_wait3A_209 = tpu.memref_slice %arg3[%dma_wait3A_208, %mul3A_195] : memref<2x320000xi32, #tpu.memory_space<hbm>> -> memref<2x128xi32, #tpu.memory_space<hbm>>
          tpu.wait_dma2 semaphore(%dma_wait3A_203 : memref<!tpu.dma_semaphore, #tpu.memory_space<semaphore_mem>>) src(%dma_wait3A_209 : memref<2x128xi32, #tpu.memory_space<hbm>>) dst(%dma_wait3A_207 : memref<2x128xi32, #tpu.memory_space<vmem>>)
          %dma_start3A_210 = arith.constant 0 : i32
          %dma_start3A_211 = arith.constant 0 : i32
          %dma_start3A_212 = arith.constant 0 : i32
          %dma_start3A_213 = tpu.memref_slice %arg9[%rem3A_125, %dma_start3A_211, %dma_start3A_212] : memref<2x128x128xbf16, #tpu.memory_space<vmem>> -> memref<1x128x128xbf16, #tpu.memory_space<vmem>>
          %dma_start3A_214 = tpu.memref_squeeze %dma_start3A_213 : memref<1x128x128xbf16, #tpu.memory_space<vmem>> -> memref<128x128xbf16, #tpu.memory_space<vmem>>
          %dma_start3A_215 = arith.constant 0 : i32
          %dma_start3A_216 = tpu.memref_slice %arg8[%rem3A_125, %dma_start3A_210, %dma_start3A_215] : memref<2x2x128xi32, #tpu.memory_space<vmem>> -> memref<1x1x128xi32, #tpu.memory_space<vmem>>
          %dma_start3A_217 = tpu.memref_squeeze %dma_start3A_216 : memref<1x1x128xi32, #tpu.memory_space<vmem>> -> memref<128xi32, #tpu.memory_space<vmem>>
          %dma_start3A_218 = arith.constant 0 : i32
          %dma_start3A_219 = arith.constant 0 : i32
          %dma_start3A_220 = tpu.memref_slice %arg2[%dma_start3A_218, %dma_start3A_219] : memref<10000x128xbf16, #tpu.memory_space<hbm>> -> memref<10000x128xbf16, #tpu.memory_space<hbm>>
          %dma_start3A_221 = tpu.memref_slice %arg11[%rem3A_125] : memref<2x!tpu.dma_semaphore, #tpu.memory_space<semaphore_mem>> -> memref<1x!tpu.dma_semaphore, #tpu.memory_space<semaphore_mem>>
          %dma_start3A_222 = tpu.memref_squeeze %dma_start3A_221 : memref<1x!tpu.dma_semaphore, #tpu.memory_space<semaphore_mem>> -> memref<!tpu.dma_semaphore, #tpu.memory_space<semaphore_mem>>
          tpu.enqueue_indirect_dma source(%dma_start3A_220 : memref<10000x128xbf16, #tpu.memory_space<hbm>>) target(%dma_start3A_214 : memref<128x128xbf16, #tpu.memory_space<vmem>>) offsets(%dma_start3A_217 : memref<128xi32, #tpu.memory_space<vmem>>) semaphore(%dma_start3A_222 : memref<!tpu.dma_semaphore, #tpu.memory_space<semaphore_mem>>)
        } else {
        }
        %get3A = arith.constant 1 : i32
        %get3A_131 = arith.index_cast %rem3A_121 : i32 to index
        %get3A_132 = arith.index_cast %get3A : i32 to index
        %get3A_133 = arith.constant 0 : index
        %get3A_134 = tpu.vector_load %arg8[%get3A_131, %get3A_132, %get3A_133] {strides = array<i32>} : memref<2x2x128xi32, #tpu.memory_space<vmem>>, vector<16xi32>,
        tpu.vector_store_idx %arg10[%get3A_134], %broadcast_in_dim3A_71 {add = true} : memref<10240xf32, #tpu.memory_space<vmem>>[vector<16xi32>], vector<16xf32>,
        %get3A_135 = arith.constant 1 : i32
        %get3A_136 = arith.index_cast %rem3A_121 : i32 to index
        %get3A_137 = arith.index_cast %get3A_135 : i32 to index
        %get3A_138 = arith.constant 16 : index
        %get3A_139 = tpu.vector_load %arg8[%get3A_136, %get3A_137, %get3A_138] {strides = array<i32>} : memref<2x2x128xi32, #tpu.memory_space<vmem>>, vector<16xi32>,
        tpu.vector_store_idx %arg10[%get3A_139], %broadcast_in_dim3A_71 {add = true} : memref<10240xf32, #tpu.memory_space<vmem>>[vector<16xi32>], vector<16xf32>,
        %get3A_140 = arith.constant 1 : i32
        %get3A_141 = arith.index_cast %rem3A_121 : i32 to index
        %get3A_142 = arith.index_cast %get3A_140 : i32 to index
        %get3A_143 = arith.constant 32 : index
        %get3A_144 = tpu.vector_load %arg8[%get3A_141, %get3A_142, %get3A_143] {strides = array<i32>} : memref<2x2x128xi32, #tpu.memory_space<vmem>>, vector<16xi32>,
        tpu.vector_store_idx %arg10[%get3A_144], %broadcast_in_dim3A_71 {add = true} : memref<10240xf32, #tpu.memory_space<vmem>>[vector<16xi32>], vector<16xf32>,
        %get3A_145 = arith.constant 1 : i32
        %get3A_146 = arith.index_cast %rem3A_121 : i32 to index
        %get3A_147 = arith.index_cast %get3A_145 : i32 to index
        %get3A_148 = arith.constant 48 : index
        %get3A_149 = tpu.vector_load %arg8[%get3A_146, %get3A_147, %get3A_148] {strides = array<i32>} : memref<2x2x128xi32, #tpu.memory_space<vmem>>, vector<16xi32>,
        tpu.vector_store_idx %arg10[%get3A_149], %broadcast_in_dim3A_71 {add = true} : memref<10240xf32, #tpu.memory_space<vmem>>[vector<16xi32>], vector<16xf32>,
        %get3A_150 = arith.constant 1 : i32
        %get3A_151 = arith.index_cast %rem3A_121 : i32 to index
        %get3A_152 = arith.index_cast %get3A_150 : i32 to index
        %get3A_153 = arith.constant 64 : index
        %get3A_154 = tpu.vector_load %arg8[%get3A_151, %get3A_152, %get3A_153] {strides = array<i32>} : memref<2x2x128xi32, #tpu.memory_space<vmem>>, vector<16xi32>,
        tpu.vector_store_idx %arg10[%get3A_154], %broadcast_in_dim3A_71 {add = true} : memref<10240xf32, #tpu.memory_space<vmem>>[vector<16xi32>], vector<16xf32>,
        %get3A_155 = arith.constant 1 : i32
        %get3A_156 = arith.index_cast %rem3A_121 : i32 to index
        %get3A_157 = arith.index_cast %get3A_155 : i32 to index
        %get3A_158 = arith.constant 80 : index
        %get3A_159 = tpu.vector_load %arg8[%get3A_156, %get3A_157, %get3A_158] {strides = array<i32>} : memref<2x2x128xi32, #tpu.memory_space<vmem>>, vector<16xi32>,
        tpu.vector_store_idx %arg10[%get3A_159], %broadcast_in_dim3A_71 {add = true} : memref<10240xf32, #tpu.memory_space<vmem>>[vector<16xi32>], vector<16xf32>,
        %get3A_160 = arith.constant 1 : i32
        %get3A_161 = arith.index_cast %rem3A_121 : i32 to index
        %get3A_162 = arith.index_cast %get3A_160 : i32 to index
        %get3A_163 = arith.constant 96 : index
        %get3A_164 = tpu.vector_load %arg8[%get3A_161, %get3A_162, %get3A_163] {strides = array<i32>} : memref<2x2x128xi32, #tpu.memory_space<vmem>>, vector<16xi32>,
        tpu.vector_store_idx %arg10[%get3A_164], %broadcast_in_dim3A_71 {add = true} : memref<10240xf32, #tpu.memory_space<vmem>>[vector<16xi32>], vector<16xf32>,
        %get3A_165 = arith.constant 1 : i32
        %get3A_166 = arith.index_cast %rem3A_121 : i32 to index
        %get3A_167 = arith.index_cast %get3A_165 : i32 to index
        %get3A_168 = arith.constant 112 : index
        %get3A_169 = tpu.vector_load %arg8[%get3A_166, %get3A_167, %get3A_168] {strides = array<i32>} : memref<2x2x128xi32, #tpu.memory_space<vmem>>, vector<16xi32>,
        tpu.vector_store_idx %arg10[%get3A_169], %broadcast_in_dim3A_71 {add = true} : memref<10240xf32, #tpu.memory_space<vmem>>[vector<16xi32>], vector<16xf32>,
        %dma_wait3A = arith.constant 0 : i32
        %dma_wait3A_170 = arith.constant 0 : i32
        %dma_wait3A_171 = arith.constant 0 : i32
        %dma_wait3A_172 = tpu.memref_slice %arg9[%rem3A_121, %dma_wait3A_170, %dma_wait3A_171] : memref<2x128x128xbf16, #tpu.memory_space<vmem>> -> memref<1x128x128xbf16, #tpu.memory_space<vmem>>
        %dma_wait3A_173 = tpu.memref_squeeze %dma_wait3A_172 : memref<1x128x128xbf16, #tpu.memory_space<vmem>> -> memref<128x128xbf16, #tpu.memory_space<vmem>>
        %dma_wait3A_174 = arith.constant 0 : i32
        %dma_wait3A_175 = tpu.memref_slice %arg8[%rem3A_121, %dma_wait3A, %dma_wait3A_174] : memref<2x2x128xi32, #tpu.memory_space<vmem>> -> memref<1x1x128xi32, #tpu.memory_space<vmem>>
        %dma_wait3A_176 = tpu.memref_squeeze %dma_wait3A_175 : memref<1x1x128xi32, #tpu.memory_space<vmem>> -> memref<128xi32, #tpu.memory_space<vmem>>
        %dma_wait3A_177 = arith.constant 0 : i32
        %dma_wait3A_178 = arith.constant 0 : i32
        %dma_wait3A_179 = tpu.memref_slice %arg2[%dma_wait3A_177, %dma_wait3A_178] : memref<10000x128xbf16, #tpu.memory_space<hbm>> -> memref<10000x128xbf16, #tpu.memory_space<hbm>>
        %dma_wait3A_180 = tpu.memref_slice %arg11[%rem3A_121] : memref<2x!tpu.dma_semaphore, #tpu.memory_space<semaphore_mem>> -> memref<1x!tpu.dma_semaphore, #tpu.memory_space<semaphore_mem>>
        %dma_wait3A_181 = tpu.memref_squeeze %dma_wait3A_180 : memref<1x!tpu.dma_semaphore, #tpu.memory_space<semaphore_mem>> -> memref<!tpu.dma_semaphore, #tpu.memory_space<semaphore_mem>>
        tpu.wait_indirect_dma semaphore(%dma_wait3A_181 : memref<!tpu.dma_semaphore, #tpu.memory_space<semaphore_mem>>) src(%dma_wait3A_179 : memref<10000x128xbf16, #tpu.memory_space<hbm>>) dst(%dma_wait3A_173 : memref<128x128xbf16, #tpu.memory_space<vmem>>)
        %run_scoped3A_182 = arith.constant 1 : i32
        "tpu.region"() ({
          %run_scoped3A_189 = tpu.sem_alloc : memref<!tpu.dma_semaphore, #tpu.memory_space<semaphore_mem>>
          %dma_start3A_190 = arith.constant 0 : i32
          %dma_start3A_191 = arith.constant 0 : i32
          %dma_start3A_192 = tpu.memref_slice %arg9[%rem3A_121, %dma_start3A_190, %dma_start3A_191] : memref<2x128x128xbf16, #tpu.memory_space<vmem>> -> memref<1x128x128xbf16, #tpu.memory_space<vmem>>
          %dma_start3A_193 = tpu.memref_squeeze %dma_start3A_192 : memref<1x128x128xbf16, #tpu.memory_space<vmem>> -> memref<128x128xbf16, #tpu.memory_space<vmem>>
          %dma_start3A_194 = arith.constant 0 : i32
          %dma_start3A_195 = tpu.memref_slice %arg8[%rem3A_121, %run_scoped3A_182, %dma_start3A_194] : memref<2x2x128xi32, #tpu.memory_space<vmem>> -> memref<1x1x128xi32, #tpu.memory_space<vmem>>
          %dma_start3A_196 = tpu.memref_squeeze %dma_start3A_195 : memref<1x1x128xi32, #tpu.memory_space<vmem>> -> memref<128xi32, #tpu.memory_space<vmem>>
          %dma_start3A_197 = arith.constant 0 : i32
          %dma_start3A_198 = arith.constant 0 : i32
          %dma_start3A_199 = tpu.memref_slice %arg7[%dma_start3A_197, %dma_start3A_198] : memref<10240x128xbf16, #tpu.memory_space<vmem_shared>> -> memref<10240x128xbf16, #tpu.memory_space<vmem_shared>>
          tpu.enqueue_indirect_dma source(%dma_start3A_193 : memref<128x128xbf16, #tpu.memory_space<vmem>>) target(%dma_start3A_199 : memref<10240x128xbf16, #tpu.memory_space<vmem_shared>>) offsets(%dma_start3A_196 : memref<128xi32, #tpu.memory_space<vmem>>) semaphore(%run_scoped3A_189 : memref<!tpu.dma_semaphore, #tpu.memory_space<semaphore_mem>>) {add = true}
          %dma_wait3A_200 = arith.constant 0 : i32
          %dma_wait3A_201 = arith.constant 0 : i32
          %dma_wait3A_202 = tpu.memref_slice %arg9[%rem3A_121, %dma_wait3A_200, %dma_wait3A_201] : memref<2x128x128xbf16, #tpu.memory_space<vmem>> -> memref<1x128x128xbf16, #tpu.memory_space<vmem>>
          %dma_wait3A_203 = tpu.memref_squeeze %dma_wait3A_202 : memref<1x128x128xbf16, #tpu.memory_space<vmem>> -> memref<128x128xbf16, #tpu.memory_space<vmem>>
          %dma_wait3A_204 = arith.constant 0 : i32
          %dma_wait3A_205 = tpu.memref_slice %arg8[%rem3A_121, %run_scoped3A_182, %dma_wait3A_204] : memref<2x2x128xi32, #tpu.memory_space<vmem>> -> memref<1x1x128xi32, #tpu.memory_space<vmem>>
          %dma_wait3A_206 = tpu.memref_squeeze %dma_wait3A_205 : memref<1x1x128xi32, #tpu.memory_space<vmem>> -> memref<128xi32, #tpu.memory_space<vmem>>
          %dma_wait3A_207 = arith.constant 0 : i32
          %dma_wait3A_208 = arith.constant 0 : i32
          %dma_wait3A_209 = tpu.memref_slice %arg7[%dma_wait3A_207, %dma_wait3A_208] : memref<10240x128xbf16, #tpu.memory_space<vmem_shared>> -> memref<10240x128xbf16, #tpu.memory_space<vmem_shared>>
          tpu.wait_indirect_dma semaphore(%run_scoped3A_189 : memref<!tpu.dma_semaphore, #tpu.memory_space<semaphore_mem>>) src(%dma_wait3A_203 : memref<128x128xbf16, #tpu.memory_space<vmem>>) dst(%dma_wait3A_209 : memref<10240x128xbf16, #tpu.memory_space<vmem_shared>>)
          tpu.yield
        }) : () -> ()
        %add3A_183 = arith.constant 2 : i32
        %add3A_184 = arith.addi %while3A_119, %add3A_183 : i32
        %lt3A_185 = arith.cmpi slt, %add3A_184, %select_n3A_31 : i32
        %convert_element_type3A_186 = arith.extui %lt3A_185 : i1 to i32
        %cond3A_187 = arith.constant 0 : i32
        %cond3A_188 = arith.cmpi ne, %convert_element_type3A_186, %cond3A_187 : i32
        scf.if %cond3A_188 {
          %add3A_189 = arith.constant 2 : i32
          %add3A_190 = arith.addi %while3A_119, %add3A_189 : i32
          %mul3A_191 = arith.constant 16 : i32
          %mul3A_192 = arith.muli %add3A_190, %mul3A_191 : i32
          %add3A_193 = arith.addi %add3A_3, %mul3A_192 : i32
          %mul3A_194 = arith.constant 128 : i32
          %mul3A_195 = arith.muli %add3A_193, %mul3A_194 : i32
          %dma_start3A_196 = arith.constant 0 : i32
          %dma_start3A_197 = arith.constant 0 : i32
          %dma_start3A_198 = tpu.memref_slice %arg8[%rem3A_121, %dma_start3A_196, %dma_start3A_197] : memref<2x2x128xi32, #tpu.memory_space<vmem>> -> memref<1x2x128xi32, #tpu.memory_space<vmem>>
          %dma_start3A_199 = tpu.memref_squeeze %dma_start3A_198 : memref<1x2x128xi32, #tpu.memory_space<vmem>> -> memref<2x128xi32, #tpu.memory_space<vmem>>
          %dma_start3A_200 = arith.constant 0 : i32
          %dma_start3A_201 = tpu.memref_slice %arg3[%dma_start3A_200, %mul3A_195] : memref<2x320000xi32, #tpu.memory_space<hbm>> -> memref<2x128xi32, #tpu.memory_space<hbm>>
          %dma_start3A_202 = tpu.memref_slice %arg12[%rem3A_121] : memref<2x!tpu.dma_semaphore, #tpu.memory_space<semaphore_mem>> -> memref<1x!tpu.dma_semaphore, #tpu.memory_space<semaphore_mem>>
          %dma_start3A_203 = tpu.memref_squeeze %dma_start3A_202 : memref<1x!tpu.dma_semaphore, #tpu.memory_space<semaphore_mem>> -> memref<!tpu.dma_semaphore, #tpu.memory_space<semaphore_mem>>
          %dma_start3A_204 = arith.constant 0 : i32
          %dma_start3A_205 = arith.constant 0 : i32
          %dma_start3A_206 = tpu.memref_slice %arg8[%rem3A_121, %dma_start3A_204, %dma_start3A_205] : memref<2x2x128xi32, #tpu.memory_space<vmem>> -> memref<1x2x128xi32, #tpu.memory_space<vmem>>
          %dma_start3A_207 = tpu.memref_squeeze %dma_start3A_206 : memref<1x2x128xi32, #tpu.memory_space<vmem>> -> memref<2x128xi32, #tpu.memory_space<vmem>>
          %dma_start3A_208 = arith.constant 0 : i32
          %dma_start3A_209 = tpu.memref_slice %arg3[%dma_start3A_208, %mul3A_195] : memref<2x320000xi32, #tpu.memory_space<hbm>> -> memref<2x128xi32, #tpu.memory_space<hbm>>
          tpu.enqueue_dma source(%dma_start3A_209 : memref<2x128xi32, #tpu.memory_space<hbm>>) target(%dma_start3A_207 : memref<2x128xi32, #tpu.memory_space<vmem>>) target_semaphore(%dma_start3A_203 : memref<!tpu.dma_semaphore, #tpu.memory_space<semaphore_mem>>)
        } else {
        }
      }
    } else {
    }
    "tpu.region"() ({
      %run_scoped3A_85 = tpu.sem_alloc : memref<!tpu.dma_semaphore, #tpu.memory_space<semaphore_mem>>
      %dma_start3A = arith.constant 0 : i32
      %dma_start3A_86 = tpu.memref_slice %arg6[%add3A, %dma_start3A] : memref<32x10240xf32, #tpu.memory_space<hbm>> -> memref<1x10240xf32, #tpu.memory_space<hbm>>
      %dma_start3A_87 = tpu.memref_squeeze %dma_start3A_86 : memref<1x10240xf32, #tpu.memory_space<hbm>> -> memref<10240xf32, #tpu.memory_space<hbm>>
      %dma_start3A_88 = arith.constant 0 : i32
      %dma_start3A_89 = tpu.memref_slice %arg6[%add3A, %dma_start3A_88] : memref<32x10240xf32, #tpu.memory_space<hbm>> -> memref<1x10240xf32, #tpu.memory_space<hbm>>
      %dma_start3A_90 = tpu.memref_squeeze %dma_start3A_89 : memref<1x10240xf32, #tpu.memory_space<hbm>> -> memref<10240xf32, #tpu.memory_space<hbm>>
      tpu.enqueue_dma source(%arg10 : memref<10240xf32, #tpu.memory_space<vmem>>) target(%dma_start3A_90 : memref<10240xf32, #tpu.memory_space<hbm>>) target_semaphore(%run_scoped3A_85 : memref<!tpu.dma_semaphore, #tpu.memory_space<semaphore_mem>>)
      %dma_wait3A = arith.constant 0 : i32
      %dma_wait3A_91 = tpu.memref_slice %arg6[%add3A, %dma_wait3A] : memref<32x10240xf32, #tpu.memory_space<hbm>> -> memref<1x10240xf32, #tpu.memory_space<hbm>>
      %dma_wait3A_92 = tpu.memref_squeeze %dma_wait3A_91 : memref<1x10240xf32, #tpu.memory_space<hbm>> -> memref<10240xf32, #tpu.memory_space<hbm>>
      %dma_wait3A_93 = arith.constant 0 : i32
      %dma_wait3A_94 = tpu.memref_slice %arg6[%add3A, %dma_wait3A_93] : memref<32x10240xf32, #tpu.memory_space<hbm>> -> memref<1x10240xf32, #tpu.memory_space<hbm>>
      %dma_wait3A_95 = tpu.memref_squeeze %dma_wait3A_94 : memref<1x10240xf32, #tpu.memory_space<hbm>> -> memref<10240xf32, #tpu.memory_space<hbm>>
      tpu.wait_dma2 semaphore(%run_scoped3A_85 : memref<!tpu.dma_semaphore, #tpu.memory_space<semaphore_mem>>) src(%arg10 : memref<10240xf32, #tpu.memory_space<vmem>>) dst(%dma_wait3A_95 : memref<10240xf32, #tpu.memory_space<hbm>>)
      tpu.yield
    }) : () -> ()
    %barrier3A_74 = arith.constant 0 : index
    tpu.barrier barrier_id(%barrier3A_74)
    %eq3A_75 = arith.constant 0 : i32
    %eq3A_76 = arith.cmpi eq, %arg0, %eq3A_75 : i32
    %convert_element_type3A_77 = arith.extui %eq3A_76 : i1 to i32
    %cond3A_78 = arith.constant 0 : i32
    %cond3A_79 = arith.cmpi ne, %convert_element_type3A_77, %cond3A_78 : i32
    scf.if %cond3A_79 {
      %mul3A_85 = arith.constant 640 : i32
      %mul3A_86 = arith.muli %arg1, %mul3A_85 : i32
      %mul3A_87 = arith.constant 640 : i32
      %mul3A_88 = arith.muli %arg1, %mul3A_87 : i32
      "tpu.region"() ({
        %run_scoped3A_89 = tpu.sem_alloc : memref<!tpu.dma_semaphore, #tpu.memory_space<semaphore_mem>>
        %dma_start3A = arith.constant 0 : i32
        %dma_start3A_90 = tpu.memref_slice %arg4[%mul3A_88, %dma_start3A] : memref<10240x128xbf16, #tpu.memory_space<hbm>> -> memref<640x128xbf16, #tpu.memory_space<hbm>>
        %dma_start3A_91 = arith.constant 0 : i32
        %dma_start3A_92 = tpu.memref_slice %arg7[%mul3A_86, %dma_start3A_91] : memref<10240x128xbf16, #tpu.memory_space<vmem_shared>> -> memref<640x128xbf16, #tpu.memory_space<vmem_shared>>
        tpu.enqueue_dma source(%dma_start3A_92 : memref<640x128xbf16, #tpu.memory_space<vmem_shared>>) target(%dma_start3A_90 : memref<640x128xbf16, #tpu.memory_space<hbm>>) target_semaphore(%run_scoped3A_89 : memref<!tpu.dma_semaphore, #tpu.memory_space<semaphore_mem>>)
        %dma_wait3A = arith.constant 0 : i32
        %dma_wait3A_93 = tpu.memref_slice %arg4[%mul3A_88, %dma_wait3A] : memref<10240x128xbf16, #tpu.memory_space<hbm>> -> memref<640x128xbf16, #tpu.memory_space<hbm>>
        %dma_wait3A_94 = arith.constant 0 : i32
        %dma_wait3A_95 = tpu.memref_slice %arg7[%mul3A_86, %dma_wait3A_94] : memref<10240x128xbf16, #tpu.memory_space<vmem_shared>> -> memref<640x128xbf16, #tpu.memory_space<vmem_shared>>
        tpu.wait_dma2 semaphore(%run_scoped3A_89 : memref<!tpu.dma_semaphore, #tpu.memory_space<semaphore_mem>>) src(%dma_wait3A_95 : memref<640x128xbf16, #tpu.memory_space<vmem_shared>>) dst(%dma_wait3A_93 : memref<640x128xbf16, #tpu.memory_space<hbm>>)
        tpu.yield
      }) : () -> ()
    } else {
    }
    %eq3A_80 = arith.constant 1 : i32
    %eq3A_81 = arith.cmpi eq, %arg0, %eq3A_80 : i32
    %convert_element_type3A_82 = arith.extui %eq3A_81 : i1 to i32
    %cond3A_83 = arith.constant 0 : i32
    %cond3A_84 = arith.cmpi ne, %convert_element_type3A_82, %cond3A_83 : i32
    scf.if %cond3A_84 {
      %mul3A_85 = arith.constant 640 : i32
      %mul3A_86 = arith.muli %arg1, %mul3A_85 : i32
      %mul3A_87 = arith.constant 640 : i32
      %mul3A_88 = arith.muli %arg1, %mul3A_87 : i32
      "tpu.region"() ({
        %run_scoped3A_89 = tpu.sem_alloc : memref<!tpu.dma_semaphore, #tpu.memory_space<semaphore_mem>>
        %dma_start3A = arith.constant 0 : i32
        %dma_start3A_90 = tpu.memref_slice %arg5[%mul3A_88, %dma_start3A] : memref<10240x128xbf16, #tpu.memory_space<hbm>> -> memref<640x128xbf16, #tpu.memory_space<hbm>>
        %dma_start3A_91 = arith.constant 0 : i32
        %dma_start3A_92 = tpu.memref_slice %arg7[%mul3A_86, %dma_start3A_91] : memref<10240x128xbf16, #tpu.memory_space<vmem_shared>> -> memref<640x128xbf16, #tpu.memory_space<vmem_shared>>
        tpu.enqueue_dma source(%dma_start3A_92 : memref<640x128xbf16, #tpu.memory_space<vmem_shared>>) target(%dma_start3A_90 : memref<640x128xbf16, #tpu.memory_space<hbm>>) target_semaphore(%run_scoped3A_89 : memref<!tpu.dma_semaphore, #tpu.memory_space<semaphore_mem>>)
        %dma_wait3A = arith.constant 0 : i32
        %dma_wait3A_93 = tpu.memref_slice %arg5[%mul3A_88, %dma_wait3A] : memref<10240x128xbf16, #tpu.memory_space<hbm>> -> memref<640x128xbf16, #tpu.memory_space<hbm>>
        %dma_wait3A_94 = arith.constant 0 : i32
        %dma_wait3A_95 = tpu.memref_slice %arg7[%mul3A_86, %dma_wait3A_94] : memref<10240x128xbf16, #tpu.memory_space<vmem_shared>> -> memref<640x128xbf16, #tpu.memory_space<vmem_shared>>
        tpu.wait_dma2 semaphore(%run_scoped3A_89 : memref<!tpu.dma_semaphore, #tpu.memory_space<semaphore_mem>>) src(%dma_wait3A_95 : memref<640x128xbf16, #tpu.memory_space<vmem_shared>>) dst(%dma_wait3A_93 : memref<640x128xbf16, #tpu.memory_space<hbm>>)
        tpu.yield
      }) : () -> ()
    } else {
    }
    return
  }
}

module attributes {stable_mosaic.version = 14 : i64} {
  func.func @body(%arg0: i32, %arg1: memref<1024x128xf32, #tpu.memory_space<vmem>>, %arg2: memref<128x128xf32, #tpu.memory_space<vmem>>, %arg3: memref<1x128xf32, #tpu.memory_space<vmem>>, %arg4: memref<1024x128xf32, #tpu.memory_space<vmem>>) attributes {dimension_semantics = [#tpu.dimension_semantics<arbitrary>], iteration_bounds = array<i64: 10>, scalar_prefetch = 0 : i64, scratch_operands = 0 : i64, tpu.core_type = #tpu.core_type<tc>, window_params = [{transform_indices = @transform_0, window_bounds = array<i64: 1024, 128>}, {pipeline_mode = #tpu.pipeline_mode<synchronous>, transform_indices = @transform_1, window_bounds = array<i64: 128, 128>}, {pipeline_mode = #tpu.pipeline_mode<synchronous>, transform_indices = @transform_2, window_bounds = array<i64: 1, 128>}, {transform_indices = @transform_3, window_bounds = array<i64: 1024, 128>}]} {
    %get3A = arith.constant 0 : index
    %get3A_0 = arith.constant 0 : index
    %get3A_1 = vector.load %arg1[%get3A, %get3A_0] : memref<1024x128xf32, #tpu.memory_space<vmem>>, vector<1024x128xf32>
    %get3A_2 = arith.constant 0 : index
    %get3A_3 = arith.constant 0 : index
    %get3A_4 = vector.load %arg2[%get3A_2, %get3A_3] : memref<128x128xf32, #tpu.memory_space<vmem>>, vector<128x128xf32>
    %dot_general3A = arith.constant dense<0.000000e+00> : vector<1024x128xf32>
    %dot_general3A_5 = tpu.matmul %get3A_1, %get3A_4, %dot_general3A {dimension_numbers = #tpu.dot_dimension_numbers<[1], [1], [0], [0], [0, 0, 1, 0], [], []>, transpose_lhs_hint = false} : vector<1024x128xf32>, vector<128x128xf32>, vector<1024x128xf32> -> vector<1024x128xf32>
    %get3A_6 = arith.constant 0 : index
    %get3A_7 = arith.constant 0 : index
    %get3A_8 = vector.load %arg3[%get3A_6, %get3A_7] : memref<1x128xf32, #tpu.memory_space<vmem>>, vector<1x128xf32>
    %add3A = vector.broadcast %get3A_8 : vector<1x128xf32> to vector<1024x128xf32>
    %add3A_9 = arith.addf %dot_general3A_5, %add3A : vector<1024x128xf32>
    %swap3A = arith.constant 0 : index
    %swap3A_10 = arith.constant 0 : index
    %swap3A_11 = vector.load %arg4[%swap3A, %swap3A_10] : memref<1024x128xf32, #tpu.memory_space<vmem>>, vector<1024x128xf32>
    tpu.vector_store %arg4[%swap3A, %swap3A_10], %add3A_9 {strides = array<i32>} : memref<1024x128xf32, #tpu.memory_space<vmem>>, vector<1024x128xf32>,
    return
  }
  func.func @transform_0(%arg0: i32) -> (i32, i32) {
    %c0_i32 = arith.constant 0 : i32
    %c0_i32_0 = arith.constant 0 : i32
    return %arg0, %c0_i32 : i32, i32
  }
  func.func @transform_1(%arg0: i32) -> (i32, i32) {
    %c0_i32 = arith.constant 0 : i32
    %c0_i32_0 = arith.constant 0 : i32
    %c0_i32_1 = arith.constant 0 : i32
    return %c0_i32, %c0_i32_0 : i32, i32
  }
  func.func @transform_2(%arg0: i32) -> (i32, i32) {
    %c0_i32 = arith.constant 0 : i32
    %c0_i32_0 = arith.constant 0 : i32
    %c0_i32_1 = arith.constant 0 : i32
    return %c0_i32, %c0_i32_0 : i32, i32
  }
  func.func @transform_3(%arg0: i32) -> (i32, i32) {
    %c0_i32 = arith.constant 0 : i32
    %c0_i32_0 = arith.constant 0 : i32
    return %arg0, %c0_i32 : i32, i32
  }
}

module attributes {stable_mosaic.version = 14 : i64} {
  func.func @body(%arg0: i32, %arg1: memref<131072xbf16, #tpu.memory_space<vmem>>, %arg2: memref<131072xbf16, #tpu.memory_space<vmem>>, %arg3: memref<32x1024xf32, #tpu.memory_space<vmem>>, %arg4: memref<1024x128xf32, #tpu.memory_space<vmem>>, %arg5: memref<128x128xf32, #tpu.memory_space<vmem>>, %arg6: memref<1024x128xf32, #tpu.memory_space<vmem>>) attributes {dimension_semantics = [#tpu.dimension_semantics<arbitrary>], iteration_bounds = array<i64: 10>, scalar_prefetch = 0 : i64, scratch_operands = 0 : i64, tpu.core_type = #tpu.core_type<tc>, window_params = [{transform_indices = @transform_0, window_bounds = array<i64: 131072>}, {transform_indices = @transform_1, window_bounds = array<i64: 131072>}, {transform_indices = @transform_2, window_bounds = array<i64: 32, 1024>}, {transform_indices = @transform_3, window_bounds = array<i64: 1024, 128>}, {pipeline_mode = #tpu.pipeline_mode<synchronous>, transform_indices = @transform_4, window_bounds = array<i64: 128, 128>}, {transform_indices = @transform_5, window_bounds = array<i64: 1024, 128>}]} {
    %get3A = arith.constant 0 : index
    %get3A_0 = vector.load %arg1[%get3A] : memref<131072xbf16, #tpu.memory_space<vmem>>, vector<131072xbf16>
    %reshape3A = vector.shape_cast %get3A_0 : vector<131072xbf16> to vector<1024x128xbf16>
    %convert_element_type3A = arith.extf %reshape3A : vector<1024x128xbf16> to vector<1024x128xf32>
    %get3A_1 = arith.constant 0 : index
    %get3A_2 = vector.load %arg2[%get3A_1] : memref<131072xbf16, #tpu.memory_space<vmem>>, vector<131072xbf16>
    %reshape3A_3 = vector.shape_cast %get3A_2 : vector<131072xbf16> to vector<1024x128xbf16>
    %convert_element_type3A_4 = arith.extf %reshape3A_3 : vector<1024x128xbf16> to vector<1024x128xf32>
    %add3A = arith.addf %convert_element_type3A, %convert_element_type3A_4 : vector<1024x128xf32>
    %get3A_5 = arith.constant 0 : index
    %get3A_6 = arith.constant 0 : index
    %get3A_7 = vector.load %arg3[%get3A_5, %get3A_6] : memref<32x1024xf32, #tpu.memory_space<vmem>>, vector<32x1024xf32>
    %reduce_sum3A = arith.constant dense<0.000000e+00> : vector<1024xf32>
    %reduce_sum3A_8 = vector.multi_reduction <add>, %get3A_7, %reduce_sum3A [0] : vector<32x1024xf32> to vector<1024xf32>
    %reshape3A_9 = vector.shape_cast %reduce_sum3A_8 : vector<1024xf32> to vector<1024x1xf32>
    %max3A = arith.constant 1.000000e+00 : f32
    %max3A_10 = vector.broadcast %max3A : f32 to vector<1024x1xf32>
    %max3A_11 = arith.maximumf %reshape3A_9, %max3A_10 : vector<1024x1xf32>
    %div3A = vector.broadcast %max3A_11 : vector<1024x1xf32> to vector<1024x128xf32>
    %div3A_12 = arith.divf %add3A, %div3A : vector<1024x128xf32>
    %get3A_13 = arith.constant 0 : index
    %get3A_14 = arith.constant 0 : index
    %get3A_15 = vector.load %arg5[%get3A_13, %get3A_14] : memref<128x128xf32, #tpu.memory_space<vmem>>, vector<128x128xf32>
    %dot_general3A = arith.constant dense<0.000000e+00> : vector<1024x128xf32>
    %dot_general3A_16 = tpu.matmul %div3A_12, %get3A_15, %dot_general3A {dimension_numbers = #tpu.dot_dimension_numbers<[1], [1], [0], [0], [0, 0, 1, 0], [], []>, transpose_lhs_hint = false} : vector<1024x128xf32>, vector<128x128xf32>, vector<1024x128xf32> -> vector<1024x128xf32>
    %get3A_17 = arith.constant 0 : index
    %get3A_18 = arith.constant 0 : index
    %get3A_19 = vector.load %arg4[%get3A_17, %get3A_18] : memref<1024x128xf32, #tpu.memory_space<vmem>>, vector<1024x128xf32>
    %add3A_20 = arith.addf %dot_general3A_16, %get3A_19 : vector<1024x128xf32>
    %swap3A = arith.constant 0 : index
    %swap3A_21 = arith.constant 0 : index
    %swap3A_22 = vector.load %arg6[%swap3A, %swap3A_21] : memref<1024x128xf32, #tpu.memory_space<vmem>>, vector<1024x128xf32>
    tpu.vector_store %arg6[%swap3A, %swap3A_21], %add3A_20 {strides = array<i32>} : memref<1024x128xf32, #tpu.memory_space<vmem>>, vector<1024x128xf32>,
    return
  }
  func.func @transform_0(%arg0: i32) -> i32 {
    %c0_i32 = arith.constant 0 : i32
    return %arg0 : i32
  }
  func.func @transform_1(%arg0: i32) -> i32 {
    %c0_i32 = arith.constant 0 : i32
    return %arg0 : i32
  }
  func.func @transform_2(%arg0: i32) -> (i32, i32) {
    %c0_i32 = arith.constant 0 : i32
    %c0_i32_0 = arith.constant 0 : i32
    return %c0_i32, %arg0 : i32, i32
  }
  func.func @transform_3(%arg0: i32) -> (i32, i32) {
    %c0_i32 = arith.constant 0 : i32
    %c0_i32_0 = arith.constant 0 : i32
    return %arg0, %c0_i32 : i32, i32
  }
  func.func @transform_4(%arg0: i32) -> (i32, i32) {
    %c0_i32 = arith.constant 0 : i32
    %c0_i32_0 = arith.constant 0 : i32
    %c0_i32_1 = arith.constant 0 : i32
    return %c0_i32, %c0_i32_0 : i32, i32
  }
  func.func @transform_5(%arg0: i32) -> (i32, i32) {
    %c0_i32 = arith.constant 0 : i32
    %c0_i32_0 = arith.constant 0 : i32
    return %arg0, %c0_i32 : i32, i32
  }
}

</mosaic_0001>

<sc_bundles>
// kernel: kernel.5.cloned.1.call-start
scs
__scs_entry_jumppad:
0x0: {  	(pc) =	sbr.rel $0x88, $3  }
0x1: {  	(tag) =	ssettag $0x0;
	lr =	simm.s32 $0x1  }
0x2: {  	[smem:$0x3F9C] =	sst lr;
	_ =	strace $0xD0000000  }
0x3: {  	_ = 	snop  }
0x4: {  	_ = 	snop  }
0x5: {  	_ = 	snop  }
0x6: {  	_ = 	snop  }
0x7: {  	_ = 	snop  }
__scs_overlays_trampoline_lowered:
0x8: {  	[smem:$0x3FAB] =	sst s0  }
0x9: {  	[smem:$0x3FAC] =	sst s1  }
0xa: {  	[smem:$0x3FAD] =	sst s2  }
0xb: {  	[smem:$0x3FAE] =	sst s3  }
0xc: {  	[smem:$0x3FAF] =	sst s4  }
0xd: {  	[smem:$0x3FB0] =	sst s5  }
0xe: {  	[smem:$0x3FB1] =	sst s6  }
0xf: {  	[smem:$0x3FB2] =	sst s7  }
0x10: {  	[smem:$0x3FB3] =	sst s8  }
0x11: {  	[smem:$0x3FB4] =	sst s9;
	s0 =	simm.s32 @!p0 $0x0  }
0x12: {  	s1 =	sld [smem:$0x3F9A];
	s0 =	simm.s32 @p0 $0x1  }
0x13: {  	[smem:$0x3FB5] =	sst s0;
	s0 =	simm.s32 @!p1 $0x0  }
0x14: {  	s2 =	sld [smem:$0x3F99];
	s0 =	simm.s32 @p1 $0x1  }
0x15: {  	[smem:$0x3FB6] =	sst s0;
	s0 =	simm.s32 @!p2 $0x0  }
0x16: {  	s3 =	sld [smem:$0x3FDB];
	s0 =	simm.s32 @p2 $0x1  }
0x17: {  	s4 =	simm.s32 $0x1BF5;
	[smem:$0x3FB8] =	sst s0  }
0x18: {  	s0 =	sld [smem:$0x3F9B];
	_ =	swait.ge [sflag:s4], $0x0  }
0x19: {  	s7 =	sld [smem:$0x3F9C]  }
0x1a: {  	s8 =	sadd.s32 $0xFFFFE003, lr  }
0x1b: {  	s9 =	sadd.s32 $0xFFFFFEF7, lr;
	s5 =	simm.s32 $0xFFFFFFFF;
	p2 =	slt.u32 s8, $0xFFFFF086  }
0x1c: {  	p1 =	slt.u32 s9, $0xF7A;
	s5 =	simm.s32 @!p2 $0x0  }
0x1d: {  	s5 =	simm.s32 @p1 $0x1;
	p0 =	seq.s32 s7, s2  }
0x1e: {  	s7 =	smul.u32 @!p0 $0xF7A, s2;
	p2 =	seq.s32 @!p0 s5, $0x0  }
0x1f: {  	s9 =	smul.u32 $0xF7A, s1;
	s8 =	simm.s32 @!p0 $0x1BF5;
	p2 =	por !p2, p0  }
0x20: {  	[sflag:s8] =	ssyncset.s32 @!p0 $0xFFFFF086;
	s6 =	sadd.s32 @!p0 s3, s7;
	s7 =	simm.s32 @!p0 $0x108  }
0x21: {  	s3 =	sadd.s32 s3, s9;
	s6 =	sadd.s32 @!p0 $0x88, s6;
	s7 =	simm.s32 @p2 $0x1082  }
0x22: {  	[simem:s7], [sflag:s8] =	dma.local @!p0 [hbm:s6], $0xF7A  }
0x23: {  	s9 =	sor.u32 $0xD0000000, s2;
	s6 =	simm.s32 $0x108;
	_ =	swait.ge @!p0 [sflag:s8], $0x0  }
0x24: {  	s3 =	sadd.s32 $0x88, s3;
	s6 =	simm.s32 @!p1 $0x1082;
	[sflag:s4] =	ssyncset.s32 $0xFFFFF086  }
0x25: {  	[simem:s6], [sflag:s4] =	dma.local [hbm:s3], $0xF7A  }
0x26: {  	[smem:$0x3F9C] =	sst s1;
	(tag) =	ssettag s2;
	_ =	strace s9  }
0x27: {  	s1 =	sld [smem:$0x3FAC]  }
0x28: {  	s2 =	sld [smem:$0x3FAD]  }
0x29: {  	s4 =	sld [smem:$0x3FAF]  }
0x2a: {  	p0 =	seq.s32 s5, $0x0;
	s5 =	sld [smem:$0x3FB0]  }
0x2b: {  	s6 =	sld [smem:$0x3FB1]  }
0x2c: {  	s7 =	sld [smem:$0x3FB2]  }
0x2d: {  	s3 =	simm.s32 $0x108;
	s8 =	sld [smem:$0x3FB3]  }
0x2e: {  	s3 =	simm.s32 @!p0 $0x1082;
	s9 =	sld [smem:$0x3FB4]  }
0x2f: {  	lr =	sadd.s32 s0, s3;
	s0 =	sld [smem:$0x3FAB]  }
0x30: {  	s3 =	sld [smem:$0x3FAE]  }
0x31: {  	[smem:$0x3FB7] =	sst s10  }
0x32: {  	s10 =	sld [smem:$0x3FB5];
	_ =	sdelay $0x3  }
0x33: {  	p0 =	seq.s32 s10, $0x1;
	s10 =	sld [smem:$0x3FB7];
	_ =	sdelay $0x3  }
0x34: {  	[smem:$0x3FB7] =	sst s10  }
0x35: {  	s10 =	sld [smem:$0x3FB6];
	_ =	sdelay $0x3  }
0x36: {  	p1 =	seq.s32 s10, $0x1;
	s10 =	sld [smem:$0x3FB7];
	_ =	sdelay $0x3  }
0x37: {  	[smem:$0x3FB7] =	sst s10  }
0x38: {  	s10 =	sld [smem:$0x3FB8]  }
0x39: {  	_ = 	snop;
	(pc) =	sbr.ind lr, $3  }
0x3a: {  	_ = 	snop  }
0x3b: {  	_ = 	snop  }
0x3c: {  	p2 =	seq.s32 s10, $0x1;
	s10 =	sld [smem:$0x3FB7]  }
0x3d: {  	_ =	shalt  }
0x3e: {  	_ =	shalt  }
0x3f: {  	_ =	shalt  }
0x40: {  	_ =	shalt  }
0x41: {  	_ =	shalt  }
0x42: {  	_ =	shalt  }
0x43: {  	_ =	shalt  }
0x44: {  	_ =	shalt  }
0x45: {  	_ =	shalt  }
0x46: {  	_ =	shalt  }
0x47: {  	_ =	shalt  }
0x48: {  	_ =	shalt  }
0x49: {  	_ =	shalt  }
0x4a: {  	_ =	shalt  }
0x4b: {  	_ =	shalt  }
0x4c: {  	_ =	shalt  }
0x4d: {  	_ =	shalt  }
0x4e: {  	_ =	shalt  }
0x4f: {  	_ =	shalt  }
0x50: {  	_ =	shalt  }
0x51: {  	_ =	shalt  }
0x52: {  	_ =	shalt  }
0x53: {  	_ =	shalt  }
0x54: {  	_ =	shalt  }
0x55: {  	_ =	shalt  }
0x56: {  	_ =	shalt  }
0x57: {  	_ =	shalt  }
0x58: {  	_ =	shalt  }
0x59: {  	_ =	shalt  }
0x5a: {  	_ =	shalt  }
0x5b: {  	_ =	shalt  }
0x5c: {  	_ =	shalt  }
0x5d: {  	_ =	shalt  }
0x5e: {  	_ =	shalt  }
0x5f: {  	_ =	shalt  }
0x60: {  	_ =	shalt  }
0x61: {  	_ =	shalt  }
0x62: {  	_ =	shalt  }
0x63: {  	_ =	shalt  }
0x64: {  	_ =	shalt  }
0x65: {  	_ =	shalt  }
0x66: {  	_ =	shalt  }
0x67: {  	_ =	shalt  }
0x68: {  	_ =	shalt  }
0x69: {  	_ =	shalt  }
0x6a: {  	_ =	shalt  }
0x6b: {  	_ =	shalt  }
0x6c: {  	_ =	shalt  }
0x6d: {  	_ =	shalt  }
0x6e: {  	_ =	shalt  }
0x6f: {  	_ =	shalt  }
0x70: {  	_ =	shalt  }
0x71: {  	_ =	shalt  }
0x72: {  	_ =	shalt  }
0x73: {  	_ =	shalt  }
0x74: {  	_ =	shalt  }
0x75: {  	_ =	shalt  }
0x76: {  	_ =	shalt  }
0x77: {  	_ =	shalt  }
0x78: {  	_ =	shalt  }
0x79: {  	_ =	shalt  }
0x7a: {  	_ =	shalt  }
0x7b: {  	_ =	shalt  }
0x7c: {  	_ =	shalt  }
0x7d: {  	_ =	shalt  }
0x7e: {  	_ =	shalt  }
0x7f: {  	_ =	shalt  }
0x80: {  	_ =	shalt  }
0x81: {  	_ =	shalt  }
0x82: {  	_ =	shalt  }
0x83: {  	_ =	shalt  }
0x84: {  	_ =	shalt  }
0x85: {  	_ =	shalt  }
0x86: {  	_ =	shalt  }
0x87: {  	_ =	shalt  }
.Lfunc_end0:
.L_simem_size_0:
called_computation_lowered:
.L_overlay_start_0:
0x88: {  	s2 =	sld [smem:$0x3FD9]  }
0x89: {  	s3 =	sld [smem:$0x3FFE];
	_ =	sdelay $0x1  }
0x8a: {  	s1 =	srdreg.scid  }
0x8b: {  	s0 =	sand.u32 $0x1, s1  }
0x8c: {  	s17 =	sshll.u32 s0, $0xA;
	s2 =	sadd.s32 s3, s2  }
0x8d: {  	s2 =	sadd.s32 s2, s17  }
0x8e: {  	[smem:$0x3FC3] =	sst s2  }
0x8f: {  	_ = 	snop  }
0x90: {  	s2 =	sld [smem:$0x3FD0];
	(tm) =	ssettm $0x1  }
0x91: {  	s18 =	sld [smem:$0x3FFB];
	_ =	sdelay $0x3  }
0x92: {  	_ =	strace s18  }
0x93: {  	s3 =	sld [smem:$0x3FFC];
	_ =	sdelay $0x3  }
0x94: {  	_ =	strace s3  }
0x95: {  	s3 =	sld [smem:$0x3FFD];
	_ =	sdelay $0x3  }
0x96: {  	_ =	strace s3  }
0x97: {  	_ =	strace $0x8FFFFFFF  }
0x98: {  	s19 =	sld [smem:$0x3FDB];
	_ =	sdelay $0x1  }
0x99: {  	s4 =	simm.s32 $_scs_section_size  }
0x9a: {  	s5 =	simm.s32 $_size__tile_overlayer_lowered;
	s6 =	simm.s32 $_tile_overlayer_lowered  }
0x9b: {  	s22 =	simm.s32 $0x1BFF;
	s21 =	sshll.u32 s6, $0x1;
	s3 =	sadd.s32 s4, s19  }
0x9c: {  	s7 =	simm.s32 $0x0;
	s20 =	sshll.u32 s5, $0x1;
	s5 =	sadd.s32 s21, s3  }
0x9d: {  	[timem:s7], [sflag:s22] =	dma.local [hbm:s5], s20  }
0x9e: {  	_ =	swait.ge [sflag:s22], s20  }
0x9f: {  	s4 =	ssub.s32 $0x0, s20;
	[sflag:s22] =	ssyncset.done $0x0  }
0xa0: {  	[sflag:s22] =	ssyncadd.s32 s4;
	_ =	sdelay $0x1  }
0xa1: {  	s23 =	simm.s32 $0x1B8B  }
0xa2: {  	_ =	swait.ge [sflag:s23], $0x1  }
0xa3: {  	[sflag:s23] =	ssyncset.done $0x0  }
0xa4: {  	s25 =	simm.s32 $0x1B8E;
	s24 =	sld [smem:$0x3FFE];
	[sflag:s23] =	ssyncadd.s32 $0xFFFFFFFF  }
0xa5: {  	s26 =	simm.s32 $execute0_lowered;
	[smem:$0x3FD2] =	sst s25  }
0xa6: {  	s5 =	sshll.u32 s26, $0x1;
	_ =	strace $0x80000046;
	[dreg:$0x1] =	wrdreg $0xFFFFFFFF  }
0xa7: {  	s28 =	simm.s32 $_size_execute0_lowered;
	s3 =	sadd.s32 s3, s5;
	[dreg:$0x0] =	wrdreg $0x0  }
0xa8: {  	s5 =	sshll.u32 s28, $0x1;
	[dreg:$0x2] =	wrdreg s3  }
0xa9: {  	[dreg:$0x3] =	wrdreg s5  }
0xaa: {  	[dreg:$0x4] =	wrdreg $0xC0  }
0xab: {  	_ =	task [dreg:s7], $0x5FFFF  }
0xac: {  	[dreg:$0x1] =	wrdreg $0xFFFFFFFF  }
0xad: {  	[dreg:$0x0] =	wrdreg $0x60  }
0xae: {  	[dreg:$0x2] =	wrdreg s24  }
0xaf: {  	[dreg:$0x3] =	wrdreg s2  }
0xb0: {  	[dreg:$0x4] =	wrdreg $0x0  }
0xb1: {  	[dreg:$0x5] =	wrdreg $0x9  }
0xb2: {  	_ =	task.clear_ibuf [dreg:s7], $0x6FFFF;
	_ =	strace $0x90000046  }
0xb3: {  	s29 =	simm.s32 $0x9;
	_ =	strace $0x80000048  }
0xb4: {  	_ =	swait.ge [sflag:s29], $0x1  }
0xb5: {  	[sflag:s29] =	ssyncadd.s32 $0xFFFFFFFF  }
0xb6: {  	_ =	strace $0x90000048  }
0xb7: {  	_ =	sfence  }
0xb8: {  	s30 =	sld [smem:$0x0];
	_ =	sdelay $0x2  }
0xb9: {  	s31 =	sshll.u32 s1, $0xD;
	s1 =	sshrl.u32 s1, $0x2  }
0xba: {  	s3 =	sand.u32 $0x4000, s31;
	s1 =	sadd.s32 s1, s30  }
0xbb: {  	s0 =	sor.u32 s3, s0;
	s1 =	sshll.u32 s1, $0x11  }
0xbc: {  	s0 =	sor.u32 s1, s0  }
0xbd: {  	s0 =	sadd.s32 $0x8F2B, s0  }
0xbe: {  	[sflag:s0] =	ssyncadd.remote.s32 $0x1  }
0xbf: {  	_ =	sfence.sel $0xFFFF  }
0xc0: {  	[dreg:$0x0] =	wrdreg $0xFFFFFFFF;
	(pc) =	sbr.abs _section_cstart, $3  }
0xc1: {  	[dreg:$0x1] =	wrdreg $0xFFFFFFFF  }
0xc2: {  	_ =	task.clear_ibuf [dreg:s7], $0x2FFFF;
	_ =	strace $0x9FFFFFFF  }
0xc3: {  	(tm) =	ssettm $0x7FFFFFFF  }
tec
execute0_lowered:
.L_overlay_start_1:
0x0: {  	(tag) =	ssettag $0x1  }
0x1: {  	s0 =	rddreg [dreg:$0x0]  }
0x2: {  	s2 =	rddreg [dreg:$0x1];
	s3 =	srdreg.scid  }
0x3: {  	s1 =	rddreg [dreg:$0x2];
	s6 =	simm.s32 $0x0;
	s11 =	stileid.u32  }
0x4: {  	s28 =	simm.s32 $0x0;
	s3 =	sand.u32 $0x1, s3;
	[smem:$0x7FF] =	sst s6  }
0x5: {  	s8 =	sadd.s32 $0x29000, s0;
	s9 =	smul.u32 $0x28000, s11;
	s10 =	sxor.u32 $0xF, s11  }
0x6: {  	s4 =	ssub.s32 $0x0, s3;
	s5 =	sshll.u32 s3, $0x4;
	_ =	strace $0x80000047  }
0x7: {  	s19 =	ssub.s32 $0x2, s3;
	p0 =	seq.s32 s3, $0x0;
	s3 =	simm.s32 $0x4DB  }
0x8: {  	s4 =	sand.u32 $0x4DB, s4;
	s5 =	sor.u32 s11, s5;
	s20 =	sshrl.u32 s19, $0x1  }
0x9: {  	s3 =	simm.s32 @!p0 $0x4E9;
	s21 =	sshrl.u32 s9, $0x2;
	s5 =	smul.u32 $0x500, s5  }
0xa: {  	s8 =	smov.u32 @p0 s2;
	s4 =	sadd.s32 s11, s4;
	s11 =	smul.u32 $0x14000, s11  }
0xb: {  	s12 =	ssub.s32 s19, s20;
	s3 =	sadd.s32 s3, s10;
	s9 =	sadd.s32 s21, s1  }
0xc: {  	s20 =	simm.s32 $0xA200;
	s21 =	simm.s32 $0x5;
	s18 =	sshll.u32 s4, $0x4  }
0xd: {  	s4 =	sadd.s32 $0x1C00, s0;
	s23 =	sadd.s32 $0x2000, s9;
	s24 =	sadd.s32 $0x4000, s9  }
0xe: {  	s25 =	sadd.s32 $0x6000, s9;
	s26 =	sadd.s32 $0x8000, s9;
	[dreg:$0x4] =	wrdreg s23  }
0xf: {  	s14 =	smax.u32 s12, $0x1;
	s7 =	sadd.s32 s18, s0;
	[dreg:$0x5] =	wrdreg s24  }
0x10: {  	s0 =	sadd.s32 s5, s0;
	s5 =	sshrl.u32 s3, $0x4;
	[dreg:$0x6] =	wrdreg s25  }
0x11: {  	s22 =	sshrl.u32 s11, $0x1;
	[dreg:$0x7] =	wrdreg s26;
	s31 =	sshrl.u32 s11, $0x4  }
0x12: {  	s23 =	simm.s32 $0x4E200;
	s24 =	simm.s32 $0xA000;
	s26 =	simm.s32 $0xE200  }
0x13: {  	s6 =	sadd.s32 s22, s1;
	s29 =	sadd.s32 $0x15600, s7;
	s30 =	sadd.s32 $0x15700, s7  }
0x14: {  	s13 =	sadd.s32 $0x3D000, s0;
	s15 =	sadd.s32 $0xFFFFFFFE, s5;
	s16 =	sadd.s32 $0xFFFFFFFD, s5  }
0x15: {  	s17 =	sadd.s32 $0x1A400, s7;
	s18 =	sadd.s32 s8, s31;
	[dreg:$0x8] =	wrdreg s29  }
0x16: {  	v0 =	vimm.f32 $0.0e+00;
	v1 =	vimm.bf16 $0.0e+00;
	v2 =	vimm.f32 $1.000000000e+00;
	s12 =	sadd.s32 $0x15800, s7;
	s22 =	simm.s32 $0x80;
	[dreg:$0x9] =	wrdreg s30  }
.LBB2_1:
0x17: {  	s0 =	simm.s32 $0x0  }
.LBB2_2:
0x18: {  	p0 =	sne.s32 s0, $0x9FC0  }
.Ltmp0:
0x19: {  	_ = 	snop;
	(pc) =	sbr.rel @p0 .LBB2_2-.Ltmp0, $3  }
0x1a: {  	_ =	sdelay $0x1  }
0x1b: {  	s2 =	sshra.s32 s0, $0x2  }
0x1c: {  	s0 =	sadd.s32 $0x40, s0;
	[tilespmem:s2+$0xE200] =	vst v0  }
0x1d: {  	s0 =	simm.s32 $0x0  }
0x1e: {  	s2 =	sand.u32 $0x7F00, s0;
	s3 =	sand.u32 $0x60, s0  }
0x1f: {  	s2 =	sshrl.u32 s2, $0x2;
	s3 =	sshrl.u32 s3, $0x1  }
0x20: {  	s3 =	sor.u32 s3, s2  }
0x21: {  	s2 =	simm.s32 $0x40;
	[tilespmem:s3+$0xA200] =	vst v1  }
.LBB2_4:
0x22: {  	p0 =	sne.s32 s2, $0x7FC0  }
.Ltmp1:
0x23: {  	s3 =	sand.u32 $0x7F00, s2;
	s0 =	sadd.s32 $0x20, s0;
	(pc) =	sbr.rel @p0 .LBB2_4-.Ltmp1, $4  }
0x24: {  	s2 =	sadd.s32 $0x40, s2;
	s7 =	sand.u32 $0x60, s0  }
0x25: {  	s3 =	sshrl.u32 s3, $0x2;
	s7 =	sshrl.u32 s7, $0x1  }
0x26: {  	s3 =	sor.u32 s7, s3  }
0x27: {  	[tilespmem:s3+$0xA200] =	vst v1  }
0x28: {  	[spmem:s6] =	stream.linear.scatter [tilespmem:s20], [sflag:$0x5], $0x2000, $0x38;
	[tilespmem:$0x10A00] =	vst v63  }
0x29: {  	_ =	swait.ge [sflag:s21], $0x2000  }
0x2a: {  	[sflag:s21] =	ssyncset.done $0x0  }
0x2b: {  	s0 =	rddreg [dreg:$0x4];
	[sflag:s21] =	ssyncadd.s32 $0xFFFFE000  }
0x2c: {  	[spmem:s0] =	stream.linear.scatter [tilespmem:s20], [sflag:$0x5], $0x2000, $0x38;
	[tilespmem:$0x10A00] =	vst v63  }
0x2d: {  	_ =	swait.ge [sflag:s21], $0x2000  }
0x2e: {  	[sflag:s21] =	ssyncset.done $0x0  }
0x2f: {  	s11 =	rddreg [dreg:$0x5];
	[sflag:s21] =	ssyncadd.s32 $0xFFFFE000  }
0x30: {  	[spmem:s11] =	stream.linear.scatter [tilespmem:s20], [sflag:$0x5], $0x2000, $0x38;
	[tilespmem:$0x10A00] =	vst v63  }
0x31: {  	_ =	swait.ge [sflag:s21], $0x2000  }
0x32: {  	[sflag:s21] =	ssyncset.done $0x0  }
0x33: {  	s19 =	rddreg [dreg:$0x6];
	[sflag:s21] =	ssyncadd.s32 $0xFFFFE000  }
0x34: {  	[spmem:s19] =	stream.linear.scatter [tilespmem:s20], [sflag:$0x5], $0x2000, $0x38;
	[tilespmem:$0x10A00] =	vst v63  }
0x35: {  	_ =	swait.ge [sflag:s21], $0x2000  }
0x36: {  	[sflag:s21] =	ssyncset.done $0x0  }
0x37: {  	s25 =	rddreg [dreg:$0x7];
	[sflag:s21] =	ssyncadd.s32 $0xFFFFE000  }
0x38: {  	[spmem:s25] =	stream.linear.scatter [tilespmem:s20], [sflag:$0x5], $0x2000, $0x38;
	[tilespmem:$0x10A00] =	vst v63  }
0x39: {  	_ =	swait.ge [sflag:s21], $0x2000  }
0x3a: {  	[sflag:s21] =	ssyncset.done $0x0  }
0x3b: {  	[sflag:s21] =	ssyncadd.s32 $0xFFFFE000  }
0x3c: {  	[bflag:$0x0] =	sbarrier.arrive $0xFFFF  }
0x3d: {  	s29 =	rddreg [dreg:$0x8]  }
0x3e: {  	[tilespmem:s24], [sflag:$0x5] =	stream.strided.gather [hbm4b:s29+s22], $0x100, s23, s22, $0x38;
	[tilespmem:$0x10A00] =	vst v63  }
0x3f: {  	_ =	swait.ge [sflag:s21], $0x100  }
0x40: {  	[sflag:s21] =	ssyncset.done $0x0  }
0x41: {  	s2 =	simm.s32 $0xA100;
	[sflag:s21] =	ssyncadd.s32 $0xFFFFFF00  }
0x42: {  	[tilespmem:s20], [sflag:$0x1] =	stream.indirect.gather [hbm4b:s4+s22], $0x40, s24, s22, $0xb8;
	[tilespmem:$0x10A00] =	vst v63  }
0x43: {  	s31 =	simm.s32 $0x2;
	s19 =	smov.u32 s12;
	s30 =	rddreg [dreg:$0x9]  }
0x44: {  	[tilespmem:s2], [sflag:$0x4] =	stream.strided.gather [hbm4b:s30+s22], $0x100, s23, s22, $0x38;
	[tilespmem:$0x10A00] =	vst v63  }
.LBB2_6:
0x45: {  	s0 =	sadd.s32 $0xFFFFFFFF, s31  }
0x46: {  	s11 =	sadd.s32 $0xFFFFFFFE, s31;
	s2 =	sand.u32 $0x1, s0  }
0x47: {  	s9 =	sand.u32 $0x1, s11;
	s30 =	sadd.s32 $0x3, s2  }
0x48: {  	s25 =	sshll.u32 s2, $0xD;
	s11 =	sshll.u32 s2, $0x8;
	_ =	swait.ge [sflag:s30], $0x100  }
0x49: {  	s2 =	sadd.s32 $0x1, s2;
	s29 =	sshll.u32 s9, $0x8;
	[sflag:s30] =	ssyncset.done $0x0  }
0x4a: {  	s0 =	sadd.s32 $0xA200, s25;
	s3 =	sor.u32 $0xA000, s11;
	[sflag:s30] =	ssyncadd.s32 $0xFFFFFF00  }
0x4b: {  	[tilespmem:s0], [sflag:s2] =	stream.indirect.gather [hbm4b:s4+s22], $0x40, s3, s22, $0xb8;
	[tilespmem:$0x10A00] =	vst v63  }
0x4c: {  	v3 =	vld [tilespmem:s29+$0xA080];
	_ =	sdelay $0x7  }
0x4d: {  	[tilespmem:v3+s26+$0x0] =	vst.idx.add.f32.msk $0xffff, v2  }
0x4e: {  	v3 =	vld [tilespmem:s29+$0xA090];
	_ =	sdelay $0x7  }
0x4f: {  	[tilespmem:v3+s26+$0x0] =	vst.idx.add.f32.msk $0xffff, v2  }
0x50: {  	v3 =	vld [tilespmem:s29+$0xA0A0];
	_ =	sdelay $0x7  }
0x51: {  	[tilespmem:v3+s26+$0x0] =	vst.idx.add.f32.msk $0xffff, v2  }
0x52: {  	v3 =	vld [tilespmem:s29+$0xA0B0];
	_ =	sdelay $0x7  }
0x53: {  	[tilespmem:v3+s26+$0x0] =	vst.idx.add.f32.msk $0xffff, v2  }
0x54: {  	v3 =	vld [tilespmem:s29+$0xA0C0];
	_ =	sdelay $0x7  }
0x55: {  	[tilespmem:v3+s26+$0x0] =	vst.idx.add.f32.msk $0xffff, v2  }
0x56: {  	v3 =	vld [tilespmem:s29+$0xA0D0];
	_ =	sdelay $0x7  }
0x57: {  	[tilespmem:v3+s26+$0x0] =	vst.idx.add.f32.msk $0xffff, v2  }
0x58: {  	v3 =	vld [tilespmem:s29+$0xA0E0];
	_ =	sdelay $0x7  }
0x59: {  	[tilespmem:v3+s26+$0x0] =	vst.idx.add.f32.msk $0xffff, v2  }
0x5a: {  	v3 =	vld [tilespmem:s29+$0xA0F0];
	_ =	sdelay $0x7  }
0x5b: {  	s25 =	sadd.s32 $0x1, s9;
	[tilespmem:v3+s26+$0x0] =	vst.idx.add.f32.msk $0xffff, v2  }
0x5c: {  	s31 =	sadd.s32 $0x1, s31;
	_ =	swait.ge [sflag:s25], $0x2000  }
0x5d: {  	p0 =	sne.s32 s5, s31;
	s7 =	sshll.u32 s9, $0xD;
	[sflag:s25] =	ssyncset.done $0x0  }
0x5e: {  	s8 =	sor.u32 $0xA080, s29;
	s10 =	sadd.s32 $0xA200, s7;
	[sflag:s25] =	ssyncadd.s32 $0xFFFFE000  }
0x5f: {  	[spmem:s1] =	stream.indirect.scatter.add.bf16 [tilespmem:s10], [sflag:$0x5], $0x40, s8, s22, $0xb8;
	[tilespmem:$0x10A00] =	vst v63  }
.Ltmp2:
0x60: {  	_ =	swait.ge [sflag:s21], $0x2000;
	(pc) =	sbr.rel @p0 .LBB2_6-.Ltmp2, $4  }
0x61: {  	[sflag:s21] =	ssyncset.done $0x0  }
0x62: {  	s7 =	sor.u32 $0xA000, s29;
	s9 =	sadd.s32 $0x3, s9;
	[sflag:s21] =	ssyncadd.s32 $0xFFFFE000  }
0x63: {  	[tilespmem:s7], [sflag:s9] =	stream.strided.gather [hbm4b:s19+s22], $0x100, s23, s22, $0x38;
	[tilespmem:$0x10A00] =	vst v63  }
0x64: {  	s19 =	sadd.s32 $0x100, s19  }
0x65: {  	_ =	swait.ge [sflag:s9], $0x100  }
0x66: {  	[sflag:s9] =	ssyncset.done $0x0  }
0x67: {  	[sflag:s9] =	ssyncadd.s32 $0xFFFFFF00  }
0x68: {  	[tilespmem:s10], [sflag:s25] =	stream.indirect.gather [hbm4b:s4+s22], $0x40, s7, s22, $0xb8;
	[tilespmem:$0x10A00] =	vst v63  }
0x69: {  	v3 =	vld [tilespmem:s11+$0xA080];
	_ =	sdelay $0x7  }
0x6a: {  	[tilespmem:v3+s26+$0x0] =	vst.idx.add.f32.msk $0xffff, v2  }
0x6b: {  	v3 =	vld [tilespmem:s11+$0xA090];
	_ =	sdelay $0x7  }
0x6c: {  	[tilespmem:v3+s26+$0x0] =	vst.idx.add.f32.msk $0xffff, v2  }
0x6d: {  	v3 =	vld [tilespmem:s11+$0xA0A0];
	_ =	sdelay $0x7  }
0x6e: {  	[tilespmem:v3+s26+$0x0] =	vst.idx.add.f32.msk $0xffff, v2  }
0x6f: {  	v3 =	vld [tilespmem:s11+$0xA0B0];
	_ =	sdelay $0x7  }
0x70: {  	[tilespmem:v3+s26+$0x0] =	vst.idx.add.f32.msk $0xffff, v2  }
0x71: {  	v3 =	vld [tilespmem:s11+$0xA0C0];
	_ =	sdelay $0x7  }
0x72: {  	[tilespmem:v3+s26+$0x0] =	vst.idx.add.f32.msk $0xffff, v2  }
0x73: {  	v3 =	vld [tilespmem:s11+$0xA0D0];
	_ =	sdelay $0x7  }
0x74: {  	[tilespmem:v3+s26+$0x0] =	vst.idx.add.f32.msk $0xffff, v2  }
0x75: {  	v3 =	vld [tilespmem:s11+$0xA0E0];
	_ =	sdelay $0x7  }
0x76: {  	[tilespmem:v3+s26+$0x0] =	vst.idx.add.f32.msk $0xffff, v2  }
0x77: {  	v3 =	vld [tilespmem:s11+$0xA0F0];
	_ =	sdelay $0x7  }
0x78: {  	[tilespmem:v3+s26+$0x0] =	vst.idx.add.f32.msk $0xffff, v2  }
0x79: {  	_ =	swait.ge [sflag:s2], $0x2000  }
0x7a: {  	[sflag:s2] =	ssyncset.done $0x0  }
0x7b: {  	s19 =	sadd.s32 $0xA080, s11;
	[sflag:s2] =	ssyncadd.s32 $0xFFFFE000  }
0x7c: {  	[spmem:s1] =	stream.indirect.scatter.add.bf16 [tilespmem:s0], [sflag:$0x5], $0x40, s19, s22, $0xb8;
	[tilespmem:$0x10A00] =	vst v63  }
0x7d: {  	_ =	swait.ge [sflag:s21], $0x2000  }
0x7e: {  	s31 =	sadd.s32 $0xFFFFFFFE, s31;
	[sflag:s21] =	ssyncset.done $0x0  }
0x7f: {  	p0 =	sge.u32 s31, s15;
	[sflag:s21] =	ssyncadd.s32 $0xFFFFE000  }
0x80: {  	_ =	swait.ge @!p0 [sflag:s30], $0x100  }
0x81: {  	[sflag:s30] =	ssyncset.done @!p0 $0x0  }
0x82: {  	s19 =	simm.s32 @!p0 $0x80;
	[sflag:s30] =	ssyncadd.s32 @!p0 $0xFFFFFF00  }
0x83: {  	[tilespmem:s0], [sflag:s2] =	stream.indirect.gather @!p0 [hbm4b:s4+s19], $0x40, s3, s19, $0xb8;
	[tilespmem:$0x10A00] =	vst v63  }
0x84: {  	v3 =	vld [tilespmem:s29+$0xA080];
	_ =	sdelay $0x7  }
0x85: {  	[tilespmem:v3+s26+$0x0] =	vst.idx.add.f32.msk $0xffff, v2  }
0x86: {  	v3 =	vld [tilespmem:s29+$0xA090];
	_ =	sdelay $0x7  }
0x87: {  	[tilespmem:v3+s26+$0x0] =	vst.idx.add.f32.msk $0xffff, v2  }
0x88: {  	v3 =	vld [tilespmem:s29+$0xA0A0];
	_ =	sdelay $0x7  }
0x89: {  	[tilespmem:v3+s26+$0x0] =	vst.idx.add.f32.msk $0xffff, v2  }
0x8a: {  	v3 =	vld [tilespmem:s29+$0xA0B0];
	_ =	sdelay $0x7  }
0x8b: {  	[tilespmem:v3+s26+$0x0] =	vst.idx.add.f32.msk $0xffff, v2  }
0x8c: {  	v3 =	vld [tilespmem:s29+$0xA0C0];
	_ =	sdelay $0x7  }
0x8d: {  	[tilespmem:v3+s26+$0x0] =	vst.idx.add.f32.msk $0xffff, v2  }
0x8e: {  	v3 =	vld [tilespmem:s29+$0xA0D0];
	_ =	sdelay $0x7  }
0x8f: {  	[tilespmem:v3+s26+$0x0] =	vst.idx.add.f32.msk $0xffff, v2  }
0x90: {  	v3 =	vld [tilespmem:s29+$0xA0E0];
	_ =	sdelay $0x7  }
0x91: {  	[tilespmem:v3+s26+$0x0] =	vst.idx.add.f32.msk $0xffff, v2  }
0x92: {  	v3 =	vld [tilespmem:s29+$0xA0F0];
	_ =	sdelay $0x7  }
0x93: {  	[tilespmem:v3+s26+$0x0] =	vst.idx.add.f32.msk $0xffff, v2  }
0x94: {  	_ =	swait.ge [sflag:s25], $0x2000  }
0x95: {  	[sflag:s25] =	ssyncset.done $0x0  }
0x96: {  	[sflag:s25] =	ssyncadd.s32 $0xFFFFE000  }
0x97: {  	[spmem:s1] =	stream.indirect.scatter.add.bf16 [tilespmem:s10], [sflag:$0x5], $0x40, s8, s22, $0xb8;
	[tilespmem:$0x10A00] =	vst v63  }
0x98: {  	_ =	swait.ge [sflag:s21], $0x2000  }
0x99: {  	p0 =	sge.u32 s31, s16;
	[sflag:s21] =	ssyncset.done $0x0  }
0x9a: {  	s0 =	simm.s32 @!p0 $0x80;
	s2 =	simm.s32 @!p0 $0x4E200;
	[sflag:s21] =	ssyncadd.s32 $0xFFFFE000  }
0x9b: {  	[tilespmem:s7], [sflag:s9] =	stream.strided.gather @!p0 [hbm4b:s17+s0], $0x100, s2, s0, $0x38;
	[tilespmem:$0x10A00] =	vst v63  }
0x9c: {  	s29 =	simm.s32 $0x0  }
0x9d: {  	[hbm4b:s13+s29] =	stream.linear.scatter [tilespmem:s26], [sflag:$0x5], $0x2800, $0x38;
	[tilespmem:$0x10A00] =	vst v63  }
0x9e: {  	s28 =	sadd.s32 $0x1, s28;
	_ =	swait.ge [sflag:s21], $0x2800  }
0x9f: {  	s30 =	stileid.u32;
	s31 =	sshrl.u32 s6, $0x3;
	[sflag:s21] =	ssyncset.done $0x0  }
0xa0: {  	s0 =	sshll.u32 s30, $0x6;
	p0 =	sne.s32 s28, s14;
	[sflag:s21] =	ssyncadd.s32 $0xFFFFD800  }
.Ltmp3:
0xa1: {  	s0 =	sor.u32 $0x1C05, s0;
	[bflag:$0x0] =	sbarrier.arrive $0xFFFF;
	(pc) =	sbr.rel @p0 .LBB2_1-.Ltmp3, $4  }
0xa2: {  	[hbm:s18], [sflag:s0] =	dma.local [spmem:s31], $0x1400  }
0xa3: {  	_ =	swait.ge [sflag:s21], $0x1400  }
0xa4: {  	[sflag:s21] =	ssyncset.done $0x0  }
0xa5: {  	[sflag:s21] =	ssyncadd.s32 $0xFFFFEC00  }
0xa6: {  	_ =	sfence.sel $0x180000  }
0xa7: {  	[bflag:$0x0] =	sbarrier.arrive $0xFFFF  }
0xa8: {  	_ =	strace $0x90000047  }
0xa9: {  	s0 =	stileid.u32;
	[bflag:$0x2] =	sbarrier.arrive $0xFFFF  }
0xaa: {  	p0 =	sne.s32 s0, $0x0;
	s0 =	rddreg [dreg:$0x3]  }
0xab: {  	s0 =	sadd.s32 @!p0 $0x100000, s0  }
0xac: {  	[sflag:s0] =	ssyncadd.tile.s32 @!p0 $0x1;
	_ =	shalt  }
.Lfunc_end2:
_tile_overlayer_lowered:
.L_overlay_start_2:
0xad: {  	(tag) =	ssettag $0x2  }
0xae: {  	s0 =	rddreg [dreg:$0x0];
	s2 =	stileid.u32  }
0xaf: {  	s1 =	rddreg [dreg:$0x1];
	p0 =	sne.s32 s2, $0x0  }
0xb0: {  	s3 =	rddreg [dreg:$0x2];
	[bflag:$0x3] =	sbarrier.arrive $0xFFFF;
	s2 =	simm.s32 @!p0 $0x1C05  }
0xb1: {  	[timem:s3], [sflag:s2] =	dma.local @!p0 [hbm:s0], s1  }
0xb2: {  	s0 =	simm.s32 @!p0 $0x5  }
0xb3: {  	_ =	swait.ge @!p0 [sflag:s0], s1  }
0xb4: {  	s1 =	ssub.s32 @!p0 $0x0, s1;
	[sflag:s0] =	ssyncset.done @!p0 $0x0  }
0xb5: {  	[sflag:s0] =	ssyncadd.s32 @!p0 s1  }
0xb6: {  	[bflag:$0x3] =	sbarrier.arrive $0xFFFF  }
0xb7: {  	_ =	shalt  }

</sc_bundles>
